<compile_context>
chip_gen: v7x
topology: tpu7x:2x2x1
jax: 0.10.2.dev20260603
libtpu: 0.0.44.dev20260713+nightly
codegen_flags: <defaults>
</compile_context>

<pallas_src>
import functools

import jax
import jax.numpy as jnp
from jax import lax
from jax.experimental import pallas as pl
from jax.experimental.pallas import tpu as pltpu
from jax.experimental.pallas import tpu_sc as plsc

_NB = 3
_NT = 2


@functools.lru_cache(maxsize=None)
def _make_gather(V, D, Bt, H):
    info = plsc.get_sparse_core_info()
    NC, NS, L = info.num_cores, info.num_subcores, info.num_lanes
    NW = NC * NS
    assert Bt % (NW * 128) == 0 and D == L and D % 8 == 0
    bpw = Bt // NW
    nbt = bpw // 128
    neb = D // 8
    stg = neb * nbt * 8 * 128

    mesh = plsc.VectorSubcoreMesh(core_axis_name="c", subcore_axis_name="s")

    @functools.partial(
        pl.kernel,
        mesh=mesh,
        compiler_params=pltpu.CompilerParams(use_tc_tiling_on_sc=False,
                                             needs_layout_passes=False),
        out_type=jax.ShapeDtypeStruct((H * neb * (Bt // 128) * 8 * 128,),
                                      jnp.float32),
        scratch_types=[
            pltpu.VMEM((H, bpw), jnp.int32),
            pltpu.VMEM((_NB, bpw, D), jnp.float32),
            pltpu.VMEM((_NT, stg), jnp.float32),
            pltpu.SemaphoreType.DMA((_NB,)),
            pltpu.SemaphoreType.DMA((_NT,)),
        ],
    )
    def gather_kernel(table_hbm, idxt_hbm, out_hbm,
                      idx_v, rows_v, trows_v, gsem, osem):
        wid = lax.axis_index("s") * NC + lax.axis_index("c")
        base = wid * bpw
        bt0 = wid * nbt

        pltpu.sync_copy(idxt_hbm.at[:, pl.ds(base, bpw)], idx_v)

        def gather_desc(h, b):
            return pltpu.make_async_copy(
                table_hbm.at[idx_v.at[h]], rows_v.at[b], gsem.at[b])

        def out_descs(h, tb):
            return [
                pltpu.make_async_copy(
                    trows_v.at[tb, pl.ds(eb * nbt * 1024, nbt * 1024)],
                    out_hbm.at[pl.ds(((h * neb + eb) * (Bt // 128) + bt0)
                                     * 1024, nbt * 1024)],
                    osem.at[tb])
                for eb in range(neb)
            ]

        ev = lax.iota(jnp.int32, L)
        lane_off = ((ev >> 3) * (nbt * 1024)) + ((ev & 7) * 128)

        def scatter_static(bi, ti):
            def body(r, carry):
                v = rows_v[bi, r, :]
                pos = lane_off + ((r >> 7) * 1024 + (r & 127))
                plsc.store_scatter(trows_v.at[ti], [pos], v)
                return carry
            lax.fori_loop(0, bpw, body, 0, unroll=False)

        def scatter(b, tb):
            for bi in range(_NB):
                for ti in range(_NT):
                    @pl.when(jnp.logical_and(b == bi, tb == ti))
                    def _(bi=bi, ti=ti):
                        scatter_static(bi, ti)

        for t in range(_NB - 1):
            gather_desc(t, t).start()

        def step(h, carry):
            b = lax.rem(h, _NB)
            fb = lax.rem(h + _NB - 1, _NB)
            tb = lax.rem(h, _NT)

            @pl.when(h + _NB - 1 < H)
            def _():
                gather_desc(h + _NB - 1, fb).start()

            gather_desc(h, b).wait()

            @pl.when(h >= _NT)
            def _():
                for c in out_descs(h - _NT, tb):
                    c.wait()

            scatter(b, tb)
            for c in out_descs(h, tb):
                c.start()
            return carry

        lax.fori_loop(0, H, step, 0)
        for c in out_descs(H - 2, lax.rem(H - 2, _NT)):
            c.wait()
        for c in out_descs(H - 1, lax.rem(H - 1, _NT)):
            c.wait()

    return gather_kernel


def kernel(indices, table):
    Bt, H = indices.shape
    V, D = table.shape
    flat = _make_gather(V, D, Bt, H)(table, indices.T)
    z = flat.reshape(H, D // 8, Bt // 128, 8, 128)
    w = jnp.transpose(z, (2, 4, 0, 1, 3))
    return w.reshape(Bt, H, D)

# --- scband reference (transcript-rebuilt; emitter-appended) ---
"""Pipeline reference for scband-solver-output-bpeencoding-70514773065828 (READ-ONLY COPY).

The authoritative reference and input builder live on the scoring server;
editing this copy changes nothing except your own understanding.
"""

import jax, jax.numpy as jnp
import numpy as np

VOCAB = 1000000
EMBED_DIM = 16
BATCH = 16384
HIST = 50


def setup_inputs(seed: int = 0) -> dict:
    key = jax.random.key(seed)
    k1, k2 = jax.random.split(key)
    indices = jax.random.randint(k1, (BATCH, HIST), 0, VOCAB, dtype=jnp.int32)
    # Learned BPE-token embedding table (built from vocab in the original module).
    table = jax.random.normal(k2, (VOCAB, EMBED_DIM), dtype=jnp.float32) * 0.02
    return {"indices": indices, "table": table}


def reference(indices, table):
    # BPE-encoded solver-output tokens -> embedding lookup (gather rows of table).
    return jnp.take(table, indices, axis=0)

if __name__ == "__main__":
    import jax
    _d = setup_inputs()
    print(jax.jit(kernel)(*tuple(_d.values())))

</pallas_src>

<mosaic_0001>
#map = affine_map<(d0, d1) -> (0, 0)>
#map1 = affine_map<(d0, d1) -> (0)>
module attributes {stable_mosaic.version = 14 : i64} {
  func.func @gather_kernel(%arg0: i32, %arg1: i32, %arg2: memref<1000000x16xf32, #tpu.memory_space<hbm>>, %arg3: memref<50x16384xi32, #tpu.memory_space<hbm>>, %arg4: memref<13107200xf32, #tpu.memory_space<hbm>>, %arg5: memref<50x512xi32, #tpu.memory_space<vmem>>, %arg6: memref<3x512x16xf32, #tpu.memory_space<vmem>>, %arg7: memref<2x8192xf32, #tpu.memory_space<vmem>>, %arg8: memref<3x!tpu.dma_semaphore, #tpu.memory_space<semaphore_mem>>, %arg9: memref<2x!tpu.dma_semaphore, #tpu.memory_space<semaphore_mem>>) attributes {dimension_semantics = [#tpu.dimension_semantics<core_parallel>, #tpu.dimension_semantics<subcore_parallel>], iteration_bounds = array<i64: 2, 16>, scalar_prefetch = 0 : i64, scratch_operands = 5 : i64, tpu.core_type = #tpu.core_type<sc_vector_subcore>, window_params = [{transform_indices = #map}, {transform_indices = #map}, {transform_indices = #map1}]} {
    %mul3A = arith.constant 2 : i32
    %mul3A_0 = arith.muli %arg1, %mul3A : i32
    %add3A = arith.addi %mul3A_0, %arg0 : i32
    %mul3A_1 = arith.constant 512 : i32
    %mul3A_2 = arith.muli %add3A, %mul3A_1 : i32
    %mul3A_3 = arith.constant 4 : i32
    %mul3A_4 = arith.muli %add3A, %mul3A_3 : i32
    "tpu.region"() ({
      %run_scoped3A = tpu.sem_alloc : memref<!tpu.dma_semaphore, #tpu.memory_space<semaphore_mem>>
      %dma_start3A_110 = arith.constant 0 : i32
      %dma_start3A_111 = tpu.memref_slice %arg3[%dma_start3A_110, %mul3A_2] : memref<50x16384xi32, #tpu.memory_space<hbm>> -> memref<50x512xi32, #tpu.memory_space<hbm>>
      %dma_start3A_112 = arith.constant 0 : i32
      %dma_start3A_113 = tpu.memref_slice %arg3[%dma_start3A_112, %mul3A_2] : memref<50x16384xi32, #tpu.memory_space<hbm>> -> memref<50x512xi32, #tpu.memory_space<hbm>>
      tpu.enqueue_dma source(%dma_start3A_113 : memref<50x512xi32, #tpu.memory_space<hbm>>) target(%arg5 : memref<50x512xi32, #tpu.memory_space<vmem>>) target_semaphore(%run_scoped3A : memref<!tpu.dma_semaphore, #tpu.memory_space<semaphore_mem>>)
      %dma_wait3A_114 = arith.constant 0 : i32
      %dma_wait3A_115 = tpu.memref_slice %arg3[%dma_wait3A_114, %mul3A_2] : memref<50x16384xi32, #tpu.memory_space<hbm>> -> memref<50x512xi32, #tpu.memory_space<hbm>>
      %dma_wait3A_116 = arith.constant 0 : i32
      %dma_wait3A_117 = tpu.memref_slice %arg3[%dma_wait3A_116, %mul3A_2] : memref<50x16384xi32, #tpu.memory_space<hbm>> -> memref<50x512xi32, #tpu.memory_space<hbm>>
      tpu.wait_dma2 semaphore(%run_scoped3A : memref<!tpu.dma_semaphore, #tpu.memory_space<semaphore_mem>>) src(%dma_wait3A_117 : memref<50x512xi32, #tpu.memory_space<hbm>>) dst(%arg5 : memref<50x512xi32, #tpu.memory_space<vmem>>)
      tpu.yield
    }) : () -> ()
    %iota3A = tpu.iota {dimensions = array<i32: 0>} : vector<16xi32>
    %shift_right_arithmetic3A = arith.constant 3 : i32
    %shift_right_arithmetic3A_5 = vector.broadcast %shift_right_arithmetic3A : i32 to vector<16xi32>
    %shift_right_arithmetic3A_6 = arith.shrsi %iota3A, %shift_right_arithmetic3A_5 : vector<16xi32>
    %mul3A_7 = arith.constant 4096 : i32
    %mul3A_8 = vector.broadcast %mul3A_7 : i32 to vector<16xi32>
    %mul3A_9 = arith.muli %shift_right_arithmetic3A_6, %mul3A_8 : vector<16xi32>
    %and3A = arith.constant 7 : i32
    %and3A_10 = vector.broadcast %and3A : i32 to vector<16xi32>
    %and3A_11 = arith.andi %iota3A, %and3A_10 : vector<16xi32>
    %mul3A_12 = arith.constant 128 : i32
    %mul3A_13 = vector.broadcast %mul3A_12 : i32 to vector<16xi32>
    %mul3A_14 = arith.muli %and3A_11, %mul3A_13 : vector<16xi32>
    %add3A_15 = arith.addi %mul3A_9, %mul3A_14 : vector<16xi32>
    %dma_start3A = arith.constant 0 : i32
    %dma_start3A_16 = arith.constant 0 : i32
    %dma_start3A_17 = arith.constant 0 : i32
    %dma_start3A_18 = arith.constant 0 : i32
    %dma_start3A_19 = arith.constant 0 : i32
    %dma_start3A_20 = tpu.memref_slice %arg6[%dma_start3A_16, %dma_start3A_18, %dma_start3A_19] : memref<3x512x16xf32, #tpu.memory_space<vmem>> -> memref<1x512x16xf32, #tpu.memory_space<vmem>>
    %dma_start3A_21 = tpu.memref_squeeze %dma_start3A_20 : memref<1x512x16xf32, #tpu.memory_space<vmem>> -> memref<512x16xf32, #tpu.memory_space<vmem>>
    %dma_start3A_22 = arith.constant 0 : i32
    %dma_start3A_23 = tpu.memref_slice %arg5[%dma_start3A, %dma_start3A_22] : memref<50x512xi32, #tpu.memory_space<vmem>> -> memref<1x512xi32, #tpu.memory_space<vmem>>
    %dma_start3A_24 = tpu.memref_squeeze %dma_start3A_23 : memref<1x512xi32, #tpu.memory_space<vmem>> -> memref<512xi32, #tpu.memory_space<vmem>>
    %dma_start3A_25 = arith.constant 0 : i32
    %dma_start3A_26 = arith.constant 0 : i32
    %dma_start3A_27 = tpu.memref_slice %arg2[%dma_start3A_25, %dma_start3A_26] : memref<1000000x16xf32, #tpu.memory_space<hbm>> -> memref<1000000x16xf32, #tpu.memory_space<hbm>>
    %dma_start3A_28 = tpu.memref_slice %arg8[%dma_start3A_17] : memref<3x!tpu.dma_semaphore, #tpu.memory_space<semaphore_mem>> -> memref<1x!tpu.dma_semaphore, #tpu.memory_space<semaphore_mem>>
    %dma_start3A_29 = tpu.memref_squeeze %dma_start3A_28 : memref<1x!tpu.dma_semaphore, #tpu.memory_space<semaphore_mem>> -> memref<!tpu.dma_semaphore, #tpu.memory_space<semaphore_mem>>
    tpu.enqueue_indirect_dma source(%dma_start3A_27 : memref<1000000x16xf32, #tpu.memory_space<hbm>>) target(%dma_start3A_21 : memref<512x16xf32, #tpu.memory_space<vmem>>) offsets(%dma_start3A_24 : memref<512xi32, #tpu.memory_space<vmem>>) semaphore(%dma_start3A_29 : memref<!tpu.dma_semaphore, #tpu.memory_space<semaphore_mem>>)
    %dma_start3A_30 = arith.constant 1 : i32
    %dma_start3A_31 = arith.constant 1 : i32
    %dma_start3A_32 = arith.constant 1 : i32
    %dma_start3A_33 = arith.constant 0 : i32
    %dma_start3A_34 = arith.constant 0 : i32
    %dma_start3A_35 = tpu.memref_slice %arg6[%dma_start3A_31, %dma_start3A_33, %dma_start3A_34] : memref<3x512x16xf32, #tpu.memory_space<vmem>> -> memref<1x512x16xf32, #tpu.memory_space<vmem>>
    %dma_start3A_36 = tpu.memref_squeeze %dma_start3A_35 : memref<1x512x16xf32, #tpu.memory_space<vmem>> -> memref<512x16xf32, #tpu.memory_space<vmem>>
    %dma_start3A_37 = arith.constant 0 : i32
    %dma_start3A_38 = tpu.memref_slice %arg5[%dma_start3A_30, %dma_start3A_37] : memref<50x512xi32, #tpu.memory_space<vmem>> -> memref<1x512xi32, #tpu.memory_space<vmem>>
    %dma_start3A_39 = tpu.memref_squeeze %dma_start3A_38 : memref<1x512xi32, #tpu.memory_space<vmem>> -> memref<512xi32, #tpu.memory_space<vmem>>
    %dma_start3A_40 = arith.constant 0 : i32
    %dma_start3A_41 = arith.constant 0 : i32
    %dma_start3A_42 = tpu.memref_slice %arg2[%dma_start3A_40, %dma_start3A_41] : memref<1000000x16xf32, #tpu.memory_space<hbm>> -> memref<1000000x16xf32, #tpu.memory_space<hbm>>
    %dma_start3A_43 = tpu.memref_slice %arg8[%dma_start3A_32] : memref<3x!tpu.dma_semaphore, #tpu.memory_space<semaphore_mem>> -> memref<1x!tpu.dma_semaphore, #tpu.memory_space<semaphore_mem>>
    %dma_start3A_44 = tpu.memref_squeeze %dma_start3A_43 : memref<1x!tpu.dma_semaphore, #tpu.memory_space<semaphore_mem>> -> memref<!tpu.dma_semaphore, #tpu.memory_space<semaphore_mem>>
    tpu.enqueue_indirect_dma source(%dma_start3A_42 : memref<1000000x16xf32, #tpu.memory_space<hbm>>) target(%dma_start3A_36 : memref<512x16xf32, #tpu.memory_space<vmem>>) offsets(%dma_start3A_39 : memref<512xi32, #tpu.memory_space<vmem>>) semaphore(%dma_start3A_44 : memref<!tpu.dma_semaphore, #tpu.memory_space<semaphore_mem>>)
    %scan3A = arith.constant 0 : i32
    %scan3A_45 = arith.constant 0 : i32
    %scan3A_46 = arith.constant 50 : i32
    %scan3A_47 = arith.addi %scan3A_45, %scan3A_46 : i32
    %scan3A_48 = arith.constant 1 : i32
    scf.for %scan3A_110 = %scan3A_45 to %scan3A_47 step %scan3A_48  : i32 {
      %rem3A_111 = arith.constant 3 : i32
      %rem3A_112 = arith.remsi %scan3A_110, %rem3A_111 : i32
      %add3A_113 = arith.constant 3 : i32
      %add3A_114 = arith.addi %scan3A_110, %add3A_113 : i32
      %sub3A = arith.constant 1 : i32
      %sub3A_115 = arith.subi %add3A_114, %sub3A : i32
      %rem3A_116 = arith.constant 3 : i32
      %rem3A_117 = arith.remsi %sub3A_115, %rem3A_116 : i32
      %rem3A_118 = arith.constant 2 : i32
      %rem3A_119 = arith.remsi %scan3A_110, %rem3A_118 : i32
      %add3A_120 = arith.constant 3 : i32
      %add3A_121 = arith.addi %scan3A_110, %add3A_120 : i32
      %sub3A_122 = arith.constant 1 : i32
      %sub3A_123 = arith.subi %add3A_121, %sub3A_122 : i32
      %lt3A = arith.constant 50 : i32
      %lt3A_124 = arith.cmpi slt, %sub3A_123, %lt3A : i32
      %convert_element_type3A = arith.extui %lt3A_124 : i1 to i32
      %cond3A = arith.constant 0 : i32
      %cond3A_125 = arith.cmpi ne, %convert_element_type3A, %cond3A : i32
      scf.if %cond3A_125 {
        %add3A_227 = arith.constant 3 : i32
        %add3A_228 = arith.addi %scan3A_110, %add3A_227 : i32
        %sub3A_229 = arith.constant 1 : i32
        %sub3A_230 = arith.subi %add3A_228, %sub3A_229 : i32
        %dma_start3A_231 = arith.constant 0 : i32
        %dma_start3A_232 = arith.constant 0 : i32
        %dma_start3A_233 = tpu.memref_slice %arg6[%rem3A_117, %dma_start3A_231, %dma_start3A_232] : memref<3x512x16xf32, #tpu.memory_space<vmem>> -> memref<1x512x16xf32, #tpu.memory_space<vmem>>
        %dma_start3A_234 = tpu.memref_squeeze %dma_start3A_233 : memref<1x512x16xf32, #tpu.memory_space<vmem>> -> memref<512x16xf32, #tpu.memory_space<vmem>>
        %dma_start3A_235 = arith.constant 0 : i32
        %dma_start3A_236 = tpu.memref_slice %arg5[%sub3A_230, %dma_start3A_235] : memref<50x512xi32, #tpu.memory_space<vmem>> -> memref<1x512xi32, #tpu.memory_space<vmem>>
        %dma_start3A_237 = tpu.memref_squeeze %dma_start3A_236 : memref<1x512xi32, #tpu.memory_space<vmem>> -> memref<512xi32, #tpu.memory_space<vmem>>
        %dma_start3A_238 = arith.constant 0 : i32
        %dma_start3A_239 = arith.constant 0 : i32
        %dma_start3A_240 = tpu.memref_slice %arg2[%dma_start3A_238, %dma_start3A_239] : memref<1000000x16xf32, #tpu.memory_space<hbm>> -> memref<1000000x16xf32, #tpu.memory_space<hbm>>
        %dma_start3A_241 = tpu.memref_slice %arg8[%rem3A_117] : memref<3x!tpu.dma_semaphore, #tpu.memory_space<semaphore_mem>> -> memref<1x!tpu.dma_semaphore, #tpu.memory_space<semaphore_mem>>
        %dma_start3A_242 = tpu.memref_squeeze %dma_start3A_241 : memref<1x!tpu.dma_semaphore, #tpu.memory_space<semaphore_mem>> -> memref<!tpu.dma_semaphore, #tpu.memory_space<semaphore_mem>>
        tpu.enqueue_indirect_dma source(%dma_start3A_240 : memref<1000000x16xf32, #tpu.memory_space<hbm>>) target(%dma_start3A_234 : memref<512x16xf32, #tpu.memory_space<vmem>>) offsets(%dma_start3A_237 : memref<512xi32, #tpu.memory_space<vmem>>) semaphore(%dma_start3A_242 : memref<!tpu.dma_semaphore, #tpu.memory_space<semaphore_mem>>)
      } else {
      }
      %dma_wait3A_126 = arith.constant 0 : i32
      %dma_wait3A_127 = arith.constant 0 : i32
      %dma_wait3A_128 = tpu.memref_slice %arg6[%rem3A_112, %dma_wait3A_126, %dma_wait3A_127] : memref<3x512x16xf32, #tpu.memory_space<vmem>> -> memref<1x512x16xf32, #tpu.memory_space<vmem>>
      %dma_wait3A_129 = tpu.memref_squeeze %dma_wait3A_128 : memref<1x512x16xf32, #tpu.memory_space<vmem>> -> memref<512x16xf32, #tpu.memory_space<vmem>>
      %dma_wait3A_130 = arith.constant 0 : i32
      %dma_wait3A_131 = tpu.memref_slice %arg5[%scan3A_110, %dma_wait3A_130] : memref<50x512xi32, #tpu.memory_space<vmem>> -> memref<1x512xi32, #tpu.memory_space<vmem>>
      %dma_wait3A_132 = tpu.memref_squeeze %dma_wait3A_131 : memref<1x512xi32, #tpu.memory_space<vmem>> -> memref<512xi32, #tpu.memory_space<vmem>>
      %dma_wait3A_133 = arith.constant 0 : i32
      %dma_wait3A_134 = arith.constant 0 : i32
      %dma_wait3A_135 = tpu.memref_slice %arg2[%dma_wait3A_133, %dma_wait3A_134] : memref<1000000x16xf32, #tpu.memory_space<hbm>> -> memref<1000000x16xf32, #tpu.memory_space<hbm>>
      %dma_wait3A_136 = tpu.memref_slice %arg8[%rem3A_112] : memref<3x!tpu.dma_semaphore, #tpu.memory_space<semaphore_mem>> -> memref<1x!tpu.dma_semaphore, #tpu.memory_space<semaphore_mem>>
      %dma_wait3A_137 = tpu.memref_squeeze %dma_wait3A_136 : memref<1x!tpu.dma_semaphore, #tpu.memory_space<semaphore_mem>> -> memref<!tpu.dma_semaphore, #tpu.memory_space<semaphore_mem>>
      tpu.wait_indirect_dma semaphore(%dma_wait3A_137 : memref<!tpu.dma_semaphore, #tpu.memory_space<semaphore_mem>>) src(%dma_wait3A_135 : memref<1000000x16xf32, #tpu.memory_space<hbm>>) dst(%dma_wait3A_129 : memref<512x16xf32, #tpu.memory_space<vmem>>)
      %ge3A = arith.constant 2 : i32
      %ge3A_138 = arith.cmpi sge, %scan3A_110, %ge3A : i32
      %convert_element_type3A_139 = arith.extui %ge3A_138 : i1 to i32
      %cond3A_140 = arith.constant 0 : i32
      %cond3A_141 = arith.cmpi ne, %convert_element_type3A_139, %cond3A_140 : i32
      scf.if %cond3A_141 {
        %sub3A_227 = arith.constant 2 : i32
        %sub3A_228 = arith.subi %scan3A_110, %sub3A_227 : i32
        %mul3A_229 = arith.constant 2 : i32
        %mul3A_230 = arith.muli %sub3A_228, %mul3A_229 : i32
        %add3A_231 = arith.constant 0 : i32
        %add3A_232 = arith.addi %mul3A_230, %add3A_231 : i32
        %mul3A_233 = arith.constant 128 : i32
        %mul3A_234 = arith.muli %add3A_232, %mul3A_233 : i32
        %add3A_235 = arith.addi %mul3A_234, %mul3A_4 : i32
        %mul3A_236 = arith.constant 1024 : i32
        %mul3A_237 = arith.muli %add3A_235, %mul3A_236 : i32
        %mul3A_238 = arith.constant 2 : i32
        %mul3A_239 = arith.muli %sub3A_228, %mul3A_238 : i32
        %add3A_240 = arith.constant 1 : i32
        %add3A_241 = arith.addi %mul3A_239, %add3A_240 : i32
        %mul3A_242 = arith.constant 128 : i32
        %mul3A_243 = arith.muli %add3A_241, %mul3A_242 : i32
        %add3A_244 = arith.addi %mul3A_243, %mul3A_4 : i32
        %mul3A_245 = arith.constant 1024 : i32
        %mul3A_246 = arith.muli %add3A_244, %mul3A_245 : i32
        %dma_wait3A_247 = arith.constant 0 : i32
        %dma_wait3A_248 = tpu.memref_slice %arg7[%rem3A_119, %dma_wait3A_247] : memref<2x8192xf32, #tpu.memory_space<vmem>> -> memref<1x4096xf32, #tpu.memory_space<vmem>>
        %dma_wait3A_249 = tpu.memref_squeeze %dma_wait3A_248 : memref<1x4096xf32, #tpu.memory_space<vmem>> -> memref<4096xf32, #tpu.memory_space<vmem>>
        %dma_wait3A_250 = tpu.memref_slice %arg4[%mul3A_237] : memref<13107200xf32, #tpu.memory_space<hbm>> -> memref<4096xf32, #tpu.memory_space<hbm>>
        %dma_wait3A_251 = tpu.memref_slice %arg9[%rem3A_119] : memref<2x!tpu.dma_semaphore, #tpu.memory_space<semaphore_mem>> -> memref<1x!tpu.dma_semaphore, #tpu.memory_space<semaphore_mem>>
        %dma_wait3A_252 = tpu.memref_squeeze %dma_wait3A_251 : memref<1x!tpu.dma_semaphore, #tpu.memory_space<semaphore_mem>> -> memref<!tpu.dma_semaphore, #tpu.memory_space<semaphore_mem>>
        %dma_wait3A_253 = tpu.memref_slice %arg4[%mul3A_237] : memref<13107200xf32, #tpu.memory_space<hbm>> -> memref<4096xf32, #tpu.memory_space<hbm>>
        %dma_wait3A_254 = arith.constant 0 : i32
        %dma_wait3A_255 = tpu.memref_slice %arg7[%rem3A_119, %dma_wait3A_254] : memref<2x8192xf32, #tpu.memory_space<vmem>> -> memref<1x4096xf32, #tpu.memory_space<vmem>>
        %dma_wait3A_256 = tpu.memref_squeeze %dma_wait3A_255 : memref<1x4096xf32, #tpu.memory_space<vmem>> -> memref<4096xf32, #tpu.memory_space<vmem>>
        tpu.wait_dma2 semaphore(%dma_wait3A_252 : memref<!tpu.dma_semaphore, #tpu.memory_space<semaphore_mem>>) src(%dma_wait3A_256 : memref<4096xf32, #tpu.memory_space<vmem>>) dst(%dma_wait3A_253 : memref<4096xf32, #tpu.memory_space<hbm>>)
        %dma_wait3A_257 = arith.constant 4096 : i32
        %dma_wait3A_258 = tpu.memref_slice %arg7[%rem3A_119, %dma_wait3A_257] : memref<2x8192xf32, #tpu.memory_space<vmem>> -> memref<1x4096xf32, #tpu.memory_space<vmem>>
        %dma_wait3A_259 = tpu.memref_squeeze %dma_wait3A_258 : memref<1x4096xf32, #tpu.memory_space<vmem>> -> memref<4096xf32, #tpu.memory_space<vmem>>
        %dma_wait3A_260 = tpu.memref_slice %arg4[%mul3A_246] : memref<13107200xf32, #tpu.memory_space<hbm>> -> memref<4096xf32, #tpu.memory_space<hbm>>
        %dma_wait3A_261 = tpu.memref_slice %arg9[%rem3A_119] : memref<2x!tpu.dma_semaphore, #tpu.memory_space<semaphore_mem>> -> memref<1x!tpu.dma_semaphore, #tpu.memory_space<semaphore_mem>>
        %dma_wait3A_262 = tpu.memref_squeeze %dma_wait3A_261 : memref<1x!tpu.dma_semaphore, #tpu.memory_space<semaphore_mem>> -> memref<!tpu.dma_semaphore, #tpu.memory_space<semaphore_mem>>
        %dma_wait3A_263 = tpu.memref_slice %arg4[%mul3A_246] : memref<13107200xf32, #tpu.memory_space<hbm>> -> memref<4096xf32, #tpu.memory_space<hbm>>
        %dma_wait3A_264 = arith.constant 4096 : i32
        %dma_wait3A_265 = tpu.memref_slice %arg7[%rem3A_119, %dma_wait3A_264] : memref<2x8192xf32, #tpu.memory_space<vmem>> -> memref<1x4096xf32, #tpu.memory_space<vmem>>
        %dma_wait3A_266 = tpu.memref_squeeze %dma_wait3A_265 : memref<1x4096xf32, #tpu.memory_space<vmem>> -> memref<4096xf32, #tpu.memory_space<vmem>>
        tpu.wait_dma2 semaphore(%dma_wait3A_262 : memref<!tpu.dma_semaphore, #tpu.memory_space<semaphore_mem>>) src(%dma_wait3A_266 : memref<4096xf32, #tpu.memory_space<vmem>>) dst(%dma_wait3A_263 : memref<4096xf32, #tpu.memory_space<hbm>>)
      } else {
      }
      %eq3A = arith.constant 0 : i32
      %eq3A_142 = arith.cmpi eq, %rem3A_112, %eq3A : i32
      %eq3A_143 = arith.constant 0 : i32
      %eq3A_144 = arith.cmpi eq, %rem3A_119, %eq3A_143 : i32
      %and3A_145 = arith.andi %eq3A_142, %eq3A_144 : i1
      %convert_element_type3A_146 = arith.extui %and3A_145 : i1 to i32
      %cond3A_147 = arith.constant 0 : i32
      %cond3A_148 = arith.cmpi ne, %convert_element_type3A_146, %cond3A_147 : i32
      scf.if %cond3A_148 {
        %scan3A_227 = arith.constant 0 : i32
        %scan3A_228 = arith.constant 0 : i32
        %scan3A_229 = arith.constant 512 : i32
        %scan3A_230 = arith.addi %scan3A_228, %scan3A_229 : i32
        %scan3A_231 = arith.constant 1 : i32
        scf.for %scan3A_233 = %scan3A_228 to %scan3A_230 step %scan3A_231  : i32 {
          %get3A = arith.constant 0 : i32
          %get3A_234 = arith.index_cast %get3A : i32 to index
          %get3A_235 = arith.index_cast %scan3A_233 : i32 to index
          %get3A_236 = arith.constant 0 : index
          %get3A_237 = tpu.vector_load %arg6[%get3A_234, %get3A_235, %get3A_236] {strides = array<i32>} : memref<3x512x16xf32, #tpu.memory_space<vmem>>, vector<16xf32>,
          %shift_right_arithmetic3A_238 = arith.constant 7 : i32
          %shift_right_arithmetic3A_239 = arith.shrsi %scan3A_233, %shift_right_arithmetic3A_238 : i32
          %mul3A_240 = arith.constant 1024 : i32
          %mul3A_241 = arith.muli %shift_right_arithmetic3A_239, %mul3A_240 : i32
          %and3A_242 = arith.constant 127 : i32
          %and3A_243 = arith.andi %scan3A_233, %and3A_242 : i32
          %add3A_244 = arith.addi %mul3A_241, %and3A_243 : i32
          %add3A_245 = vector.broadcast %add3A_244 : i32 to vector<16xi32>
          %add3A_246 = arith.addi %add3A_15, %add3A_245 : vector<16xi32>
          %scatter3A = arith.constant 0 : i32
          %scatter3A_247 = arith.constant 0 : i32
          %scatter3A_248 = tpu.memref_slice %arg7[%scatter3A, %scatter3A_247] : memref<2x8192xf32, #tpu.memory_space<vmem>> -> memref<1x8192xf32, #tpu.memory_space<vmem>>
          %scatter3A_249 = tpu.memref_squeeze %scatter3A_248 : memref<1x8192xf32, #tpu.memory_space<vmem>> -> memref<8192xf32, #tpu.memory_space<vmem>>
          tpu.vector_store_idx %scatter3A_249[%add3A_246], %get3A_237 : memref<8192xf32, #tpu.memory_space<vmem>>[vector<16xi32>], vector<16xf32>,
        }
        %scan3A_232 = arith.constant 512 : i32
      } else {
      }
      %eq3A_149 = arith.constant 0 : i32
      %eq3A_150 = arith.cmpi eq, %rem3A_112, %eq3A_149 : i32
      %eq3A_151 = arith.constant 1 : i32
      %eq3A_152 = arith.cmpi eq, %rem3A_119, %eq3A_151 : i32
      %and3A_153 = arith.andi %eq3A_150, %eq3A_152 : i1
      %convert_element_type3A_154 = arith.extui %and3A_153 : i1 to i32
      %cond3A_155 = arith.constant 0 : i32
      %cond3A_156 = arith.cmpi ne, %convert_element_type3A_154, %cond3A_155 : i32
      scf.if %cond3A_156 {
        %scan3A_227 = arith.constant 0 : i32
        %scan3A_228 = arith.constant 0 : i32
        %scan3A_229 = arith.constant 512 : i32
        %scan3A_230 = arith.addi %scan3A_228, %scan3A_229 : i32
        %scan3A_231 = arith.constant 1 : i32
        scf.for %scan3A_233 = %scan3A_228 to %scan3A_230 step %scan3A_231  : i32 {
          %get3A = arith.constant 0 : i32
          %get3A_234 = arith.index_cast %get3A : i32 to index
          %get3A_235 = arith.index_cast %scan3A_233 : i32 to index
          %get3A_236 = arith.constant 0 : index
          %get3A_237 = tpu.vector_load %arg6[%get3A_234, %get3A_235, %get3A_236] {strides = array<i32>} : memref<3x512x16xf32, #tpu.memory_space<vmem>>, vector<16xf32>,
          %shift_right_arithmetic3A_238 = arith.constant 7 : i32
          %shift_right_arithmetic3A_239 = arith.shrsi %scan3A_233, %shift_right_arithmetic3A_238 : i32
          %mul3A_240 = arith.constant 1024 : i32
          %mul3A_241 = arith.muli %shift_right_arithmetic3A_239, %mul3A_240 : i32
          %and3A_242 = arith.constant 127 : i32
          %and3A_243 = arith.andi %scan3A_233, %and3A_242 : i32
          %add3A_244 = arith.addi %mul3A_241, %and3A_243 : i32
          %add3A_245 = vector.broadcast %add3A_244 : i32 to vector<16xi32>
          %add3A_246 = arith.addi %add3A_15, %add3A_245 : vector<16xi32>
          %scatter3A = arith.constant 1 : i32
          %scatter3A_247 = arith.constant 0 : i32
          %scatter3A_248 = tpu.memref_slice %arg7[%scatter3A, %scatter3A_247] : memref<2x8192xf32, #tpu.memory_space<vmem>> -> memref<1x8192xf32, #tpu.memory_space<vmem>>
          %scatter3A_249 = tpu.memref_squeeze %scatter3A_248 : memref<1x8192xf32, #tpu.memory_space<vmem>> -> memref<8192xf32, #tpu.memory_space<vmem>>
          tpu.vector_store_idx %scatter3A_249[%add3A_246], %get3A_237 : memref<8192xf32, #tpu.memory_space<vmem>>[vector<16xi32>], vector<16xf32>,
        }
        %scan3A_232 = arith.constant 512 : i32
      } else {
      }
      %eq3A_157 = arith.constant 1 : i32
      %eq3A_158 = arith.cmpi eq, %rem3A_112, %eq3A_157 : i32
      %eq3A_159 = arith.constant 0 : i32
      %eq3A_160 = arith.cmpi eq, %rem3A_119, %eq3A_159 : i32
      %and3A_161 = arith.andi %eq3A_158, %eq3A_160 : i1
      %convert_element_type3A_162 = arith.extui %and3A_161 : i1 to i32
      %cond3A_163 = arith.constant 0 : i32
      %cond3A_164 = arith.cmpi ne, %convert_element_type3A_162, %cond3A_163 : i32
      scf.if %cond3A_164 {
        %scan3A_227 = arith.constant 0 : i32
        %scan3A_228 = arith.constant 0 : i32
        %scan3A_229 = arith.constant 512 : i32
        %scan3A_230 = arith.addi %scan3A_228, %scan3A_229 : i32
        %scan3A_231 = arith.constant 1 : i32
        scf.for %scan3A_233 = %scan3A_228 to %scan3A_230 step %scan3A_231  : i32 {
          %get3A = arith.constant 1 : i32
          %get3A_234 = arith.index_cast %get3A : i32 to index
          %get3A_235 = arith.index_cast %scan3A_233 : i32 to index
          %get3A_236 = arith.constant 0 : index
          %get3A_237 = tpu.vector_load %arg6[%get3A_234, %get3A_235, %get3A_236] {strides = array<i32>} : memref<3x512x16xf32, #tpu.memory_space<vmem>>, vector<16xf32>,
          %shift_right_arithmetic3A_238 = arith.constant 7 : i32
          %shift_right_arithmetic3A_239 = arith.shrsi %scan3A_233, %shift_right_arithmetic3A_238 : i32
          %mul3A_240 = arith.constant 1024 : i32
          %mul3A_241 = arith.muli %shift_right_arithmetic3A_239, %mul3A_240 : i32
          %and3A_242 = arith.constant 127 : i32
          %and3A_243 = arith.andi %scan3A_233, %and3A_242 : i32
          %add3A_244 = arith.addi %mul3A_241, %and3A_243 : i32
          %add3A_245 = vector.broadcast %add3A_244 : i32 to vector<16xi32>
          %add3A_246 = arith.addi %add3A_15, %add3A_245 : vector<16xi32>
          %scatter3A = arith.constant 0 : i32
          %scatter3A_247 = arith.constant 0 : i32
          %scatter3A_248 = tpu.memref_slice %arg7[%scatter3A, %scatter3A_247] : memref<2x8192xf32, #tpu.memory_space<vmem>> -> memref<1x8192xf32, #tpu.memory_space<vmem>>
          %scatter3A_249 = tpu.memref_squeeze %scatter3A_248 : memref<1x8192xf32, #tpu.memory_space<vmem>> -> memref<8192xf32, #tpu.memory_space<vmem>>
          tpu.vector_store_idx %scatter3A_249[%add3A_246], %get3A_237 : memref<8192xf32, #tpu.memory_space<vmem>>[vector<16xi32>], vector<16xf32>,
        }
        %scan3A_232 = arith.constant 512 : i32
      } else {
      }
      %eq3A_165 = arith.constant 1 : i32
      %eq3A_166 = arith.cmpi eq, %rem3A_112, %eq3A_165 : i32
      %eq3A_167 = arith.constant 1 : i32
      %eq3A_168 = arith.cmpi eq, %rem3A_119, %eq3A_167 : i32
      %and3A_169 = arith.andi %eq3A_166, %eq3A_168 : i1
      %convert_element_type3A_170 = arith.extui %and3A_169 : i1 to i32
      %cond3A_171 = arith.constant 0 : i32
      %cond3A_172 = arith.cmpi ne, %convert_element_type3A_170, %cond3A_171 : i32
      scf.if %cond3A_172 {
        %scan3A_227 = arith.constant 0 : i32
        %scan3A_228 = arith.constant 0 : i32
        %scan3A_229 = arith.constant 512 : i32
        %scan3A_230 = arith.addi %scan3A_228, %scan3A_229 : i32
        %scan3A_231 = arith.constant 1 : i32
        scf.for %scan3A_233 = %scan3A_228 to %scan3A_230 step %scan3A_231  : i32 {
          %get3A = arith.constant 1 : i32
          %get3A_234 = arith.index_cast %get3A : i32 to index
          %get3A_235 = arith.index_cast %scan3A_233 : i32 to index
          %get3A_236 = arith.constant 0 : index
          %get3A_237 = tpu.vector_load %arg6[%get3A_234, %get3A_235, %get3A_236] {strides = array<i32>} : memref<3x512x16xf32, #tpu.memory_space<vmem>>, vector<16xf32>,
          %shift_right_arithmetic3A_238 = arith.constant 7 : i32
          %shift_right_arithmetic3A_239 = arith.shrsi %scan3A_233, %shift_right_arithmetic3A_238 : i32
          %mul3A_240 = arith.constant 1024 : i32
          %mul3A_241 = arith.muli %shift_right_arithmetic3A_239, %mul3A_240 : i32
          %and3A_242 = arith.constant 127 : i32
          %and3A_243 = arith.andi %scan3A_233, %and3A_242 : i32
          %add3A_244 = arith.addi %mul3A_241, %and3A_243 : i32
          %add3A_245 = vector.broadcast %add3A_244 : i32 to vector<16xi32>
          %add3A_246 = arith.addi %add3A_15, %add3A_245 : vector<16xi32>
          %scatter3A = arith.constant 1 : i32
          %scatter3A_247 = arith.constant 0 : i32
          %scatter3A_248 = tpu.memref_slice %arg7[%scatter3A, %scatter3A_247] : memref<2x8192xf32, #tpu.memory_space<vmem>> -> memref<1x8192xf32, #tpu.memory_space<vmem>>
          %scatter3A_249 = tpu.memref_squeeze %scatter3A_248 : memref<1x8192xf32, #tpu.memory_space<vmem>> -> memref<8192xf32, #tpu.memory_space<vmem>>
          tpu.vector_store_idx %scatter3A_249[%add3A_246], %get3A_237 : memref<8192xf32, #tpu.memory_space<vmem>>[vector<16xi32>], vector<16xf32>,
        }
        %scan3A_232 = arith.constant 512 : i32
      } else {
      }
      %eq3A_173 = arith.constant 2 : i32
      %eq3A_174 = arith.cmpi eq, %rem3A_112, %eq3A_173 : i32
      %eq3A_175 = arith.constant 0 : i32
      %eq3A_176 = arith.cmpi eq, %rem3A_119, %eq3A_175 : i32
      %and3A_177 = arith.andi %eq3A_174, %eq3A_176 : i1
      %convert_element_type3A_178 = arith.extui %and3A_177 : i1 to i32
      %cond3A_179 = arith.constant 0 : i32
      %cond3A_180 = arith.cmpi ne, %convert_element_type3A_178, %cond3A_179 : i32
      scf.if %cond3A_180 {
        %scan3A_227 = arith.constant 0 : i32
        %scan3A_228 = arith.constant 0 : i32
        %scan3A_229 = arith.constant 512 : i32
        %scan3A_230 = arith.addi %scan3A_228, %scan3A_229 : i32
        %scan3A_231 = arith.constant 1 : i32
        scf.for %scan3A_233 = %scan3A_228 to %scan3A_230 step %scan3A_231  : i32 {
          %get3A = arith.constant 2 : i32
          %get3A_234 = arith.index_cast %get3A : i32 to index
          %get3A_235 = arith.index_cast %scan3A_233 : i32 to index
          %get3A_236 = arith.constant 0 : index
          %get3A_237 = tpu.vector_load %arg6[%get3A_234, %get3A_235, %get3A_236] {strides = array<i32>} : memref<3x512x16xf32, #tpu.memory_space<vmem>>, vector<16xf32>,
          %shift_right_arithmetic3A_238 = arith.constant 7 : i32
          %shift_right_arithmetic3A_239 = arith.shrsi %scan3A_233, %shift_right_arithmetic3A_238 : i32
          %mul3A_240 = arith.constant 1024 : i32
          %mul3A_241 = arith.muli %shift_right_arithmetic3A_239, %mul3A_240 : i32
          %and3A_242 = arith.constant 127 : i32
          %and3A_243 = arith.andi %scan3A_233, %and3A_242 : i32
          %add3A_244 = arith.addi %mul3A_241, %and3A_243 : i32
          %add3A_245 = vector.broadcast %add3A_244 : i32 to vector<16xi32>
          %add3A_246 = arith.addi %add3A_15, %add3A_245 : vector<16xi32>
          %scatter3A = arith.constant 0 : i32
          %scatter3A_247 = arith.constant 0 : i32
          %scatter3A_248 = tpu.memref_slice %arg7[%scatter3A, %scatter3A_247] : memref<2x8192xf32, #tpu.memory_space<vmem>> -> memref<1x8192xf32, #tpu.memory_space<vmem>>
          %scatter3A_249 = tpu.memref_squeeze %scatter3A_248 : memref<1x8192xf32, #tpu.memory_space<vmem>> -> memref<8192xf32, #tpu.memory_space<vmem>>
          tpu.vector_store_idx %scatter3A_249[%add3A_246], %get3A_237 : memref<8192xf32, #tpu.memory_space<vmem>>[vector<16xi32>], vector<16xf32>,
        }
        %scan3A_232 = arith.constant 512 : i32
      } else {
      }
      %eq3A_181 = arith.constant 2 : i32
      %eq3A_182 = arith.cmpi eq, %rem3A_112, %eq3A_181 : i32
      %eq3A_183 = arith.constant 1 : i32
      %eq3A_184 = arith.cmpi eq, %rem3A_119, %eq3A_183 : i32
      %and3A_185 = arith.andi %eq3A_182, %eq3A_184 : i1
      %convert_element_type3A_186 = arith.extui %and3A_185 : i1 to i32
      %cond3A_187 = arith.constant 0 : i32
      %cond3A_188 = arith.cmpi ne, %convert_element_type3A_186, %cond3A_187 : i32
      scf.if %cond3A_188 {
        %scan3A_227 = arith.constant 0 : i32
        %scan3A_228 = arith.constant 0 : i32
        %scan3A_229 = arith.constant 512 : i32
        %scan3A_230 = arith.addi %scan3A_228, %scan3A_229 : i32
        %scan3A_231 = arith.constant 1 : i32
        scf.for %scan3A_233 = %scan3A_228 to %scan3A_230 step %scan3A_231  : i32 {
          %get3A = arith.constant 2 : i32
          %get3A_234 = arith.index_cast %get3A : i32 to index
          %get3A_235 = arith.index_cast %scan3A_233 : i32 to index
          %get3A_236 = arith.constant 0 : index
          %get3A_237 = tpu.vector_load %arg6[%get3A_234, %get3A_235, %get3A_236] {strides = array<i32>} : memref<3x512x16xf32, #tpu.memory_space<vmem>>, vector<16xf32>,
          %shift_right_arithmetic3A_238 = arith.constant 7 : i32
          %shift_right_arithmetic3A_239 = arith.shrsi %scan3A_233, %shift_right_arithmetic3A_238 : i32
          %mul3A_240 = arith.constant 1024 : i32
          %mul3A_241 = arith.muli %shift_right_arithmetic3A_239, %mul3A_240 : i32
          %and3A_242 = arith.constant 127 : i32
          %and3A_243 = arith.andi %scan3A_233, %and3A_242 : i32
          %add3A_244 = arith.addi %mul3A_241, %and3A_243 : i32
          %add3A_245 = vector.broadcast %add3A_244 : i32 to vector<16xi32>
          %add3A_246 = arith.addi %add3A_15, %add3A_245 : vector<16xi32>
          %scatter3A = arith.constant 1 : i32
          %scatter3A_247 = arith.constant 0 : i32
          %scatter3A_248 = tpu.memref_slice %arg7[%scatter3A, %scatter3A_247] : memref<2x8192xf32, #tpu.memory_space<vmem>> -> memref<1x8192xf32, #tpu.memory_space<vmem>>
          %scatter3A_249 = tpu.memref_squeeze %scatter3A_248 : memref<1x8192xf32, #tpu.memory_space<vmem>> -> memref<8192xf32, #tpu.memory_space<vmem>>
          tpu.vector_store_idx %scatter3A_249[%add3A_246], %get3A_237 : memref<8192xf32, #tpu.memory_space<vmem>>[vector<16xi32>], vector<16xf32>,
        }
        %scan3A_232 = arith.constant 512 : i32
      } else {
      }
      %mul3A_189 = arith.constant 2 : i32
      %mul3A_190 = arith.muli %scan3A_110, %mul3A_189 : i32
      %add3A_191 = arith.constant 0 : i32
      %add3A_192 = arith.addi %mul3A_190, %add3A_191 : i32
      %mul3A_193 = arith.constant 128 : i32
      %mul3A_194 = arith.muli %add3A_192, %mul3A_193 : i32
      %add3A_195 = arith.addi %mul3A_194, %mul3A_4 : i32
      %mul3A_196 = arith.constant 1024 : i32
      %mul3A_197 = arith.muli %add3A_195, %mul3A_196 : i32
      %mul3A_198 = arith.constant 2 : i32
      %mul3A_199 = arith.muli %scan3A_110, %mul3A_198 : i32
      %add3A_200 = arith.constant 1 : i32
      %add3A_201 = arith.addi %mul3A_199, %add3A_200 : i32
      %mul3A_202 = arith.constant 128 : i32
      %mul3A_203 = arith.muli %add3A_201, %mul3A_202 : i32
      %add3A_204 = arith.addi %mul3A_203, %mul3A_4 : i32
      %mul3A_205 = arith.constant 1024 : i32
      %mul3A_206 = arith.muli %add3A_204, %mul3A_205 : i32
      %dma_start3A_207 = arith.constant 0 : i32
      %dma_start3A_208 = tpu.memref_slice %arg7[%rem3A_119, %dma_start3A_207] : memref<2x8192xf32, #tpu.memory_space<vmem>> -> memref<1x4096xf32, #tpu.memory_space<vmem>>
      %dma_start3A_209 = tpu.memref_squeeze %dma_start3A_208 : memref<1x4096xf32, #tpu.memory_space<vmem>> -> memref<4096xf32, #tpu.memory_space<vmem>>
      %dma_start3A_210 = tpu.memref_slice %arg4[%mul3A_197] : memref<13107200xf32, #tpu.memory_space<hbm>> -> memref<4096xf32, #tpu.memory_space<hbm>>
      %dma_start3A_211 = tpu.memref_slice %arg9[%rem3A_119] : memref<2x!tpu.dma_semaphore, #tpu.memory_space<semaphore_mem>> -> memref<1x!tpu.dma_semaphore, #tpu.memory_space<semaphore_mem>>
      %dma_start3A_212 = tpu.memref_squeeze %dma_start3A_211 : memref<1x!tpu.dma_semaphore, #tpu.memory_space<semaphore_mem>> -> memref<!tpu.dma_semaphore, #tpu.memory_space<semaphore_mem>>
      %dma_start3A_213 = tpu.memref_slice %arg4[%mul3A_197] : memref<13107200xf32, #tpu.memory_space<hbm>> -> memref<4096xf32, #tpu.memory_space<hbm>>
      %dma_start3A_214 = arith.constant 0 : i32
      %dma_start3A_215 = tpu.memref_slice %arg7[%rem3A_119, %dma_start3A_214] : memref<2x8192xf32, #tpu.memory_space<vmem>> -> memref<1x4096xf32, #tpu.memory_space<vmem>>
      %dma_start3A_216 = tpu.memref_squeeze %dma_start3A_215 : memref<1x4096xf32, #tpu.memory_space<vmem>> -> memref<4096xf32, #tpu.memory_space<vmem>>
      tpu.enqueue_dma source(%dma_start3A_216 : memref<4096xf32, #tpu.memory_space<vmem>>) target(%dma_start3A_213 : memref<4096xf32, #tpu.memory_space<hbm>>) target_semaphore(%dma_start3A_212 : memref<!tpu.dma_semaphore, #tpu.memory_space<semaphore_mem>>)
      %dma_start3A_217 = arith.constant 4096 : i32
      %dma_start3A_218 = tpu.memref_slice %arg7[%rem3A_119, %dma_start3A_217] : memref<2x8192xf32, #tpu.memory_space<vmem>> -> memref<1x4096xf32, #tpu.memory_space<vmem>>
      %dma_start3A_219 = tpu.memref_squeeze %dma_start3A_218 : memref<1x4096xf32, #tpu.memory_space<vmem>> -> memref<4096xf32, #tpu.memory_space<vmem>>
      %dma_start3A_220 = tpu.memref_slice %arg4[%mul3A_206] : memref<13107200xf32, #tpu.memory_space<hbm>> -> memref<4096xf32, #tpu.memory_space<hbm>>
      %dma_start3A_221 = tpu.memref_slice %arg9[%rem3A_119] : memref<2x!tpu.dma_semaphore, #tpu.memory_space<semaphore_mem>> -> memref<1x!tpu.dma_semaphore, #tpu.memory_space<semaphore_mem>>
      %dma_start3A_222 = tpu.memref_squeeze %dma_start3A_221 : memref<1x!tpu.dma_semaphore, #tpu.memory_space<semaphore_mem>> -> memref<!tpu.dma_semaphore, #tpu.memory_space<semaphore_mem>>
      %dma_start3A_223 = tpu.memref_slice %arg4[%mul3A_206] : memref<13107200xf32, #tpu.memory_space<hbm>> -> memref<4096xf32, #tpu.memory_space<hbm>>
      %dma_start3A_224 = arith.constant 4096 : i32
      %dma_start3A_225 = tpu.memref_slice %arg7[%rem3A_119, %dma_start3A_224] : memref<2x8192xf32, #tpu.memory_space<vmem>> -> memref<1x4096xf32, #tpu.memory_space<vmem>>
      %dma_start3A_226 = tpu.memref_squeeze %dma_start3A_225 : memref<1x4096xf32, #tpu.memory_space<vmem>> -> memref<4096xf32, #tpu.memory_space<vmem>>
      tpu.enqueue_dma source(%dma_start3A_226 : memref<4096xf32, #tpu.memory_space<vmem>>) target(%dma_start3A_223 : memref<4096xf32, #tpu.memory_space<hbm>>) target_semaphore(%dma_start3A_222 : memref<!tpu.dma_semaphore, #tpu.memory_space<semaphore_mem>>)
    }
    %scan3A_49 = arith.constant 50 : i32
    %rem3A = arith.constant 48 : i32
    %rem3A_50 = arith.constant 2 : i32
    %rem3A_51 = arith.remsi %rem3A, %rem3A_50 : i32
    %add3A_52 = arith.constant 12288 : i32
    %add3A_53 = arith.addi %add3A_52, %mul3A_4 : i32
    %mul3A_54 = arith.constant 1024 : i32
    %mul3A_55 = arith.muli %add3A_53, %mul3A_54 : i32
    %add3A_56 = arith.constant 12416 : i32
    %add3A_57 = arith.addi %add3A_56, %mul3A_4 : i32
    %mul3A_58 = arith.constant 1024 : i32
    %mul3A_59 = arith.muli %add3A_57, %mul3A_58 : i32
    %dma_wait3A = arith.constant 0 : i32
    %dma_wait3A_60 = tpu.memref_slice %arg7[%rem3A_51, %dma_wait3A] : memref<2x8192xf32, #tpu.memory_space<vmem>> -> memref<1x4096xf32, #tpu.memory_space<vmem>>
    %dma_wait3A_61 = tpu.memref_squeeze %dma_wait3A_60 : memref<1x4096xf32, #tpu.memory_space<vmem>> -> memref<4096xf32, #tpu.memory_space<vmem>>
    %dma_wait3A_62 = tpu.memref_slice %arg4[%mul3A_55] : memref<13107200xf32, #tpu.memory_space<hbm>> -> memref<4096xf32, #tpu.memory_space<hbm>>
    %dma_wait3A_63 = tpu.memref_slice %arg9[%rem3A_51] : memref<2x!tpu.dma_semaphore, #tpu.memory_space<semaphore_mem>> -> memref<1x!tpu.dma_semaphore, #tpu.memory_space<semaphore_mem>>
    %dma_wait3A_64 = tpu.memref_squeeze %dma_wait3A_63 : memref<1x!tpu.dma_semaphore, #tpu.memory_space<semaphore_mem>> -> memref<!tpu.dma_semaphore, #tpu.memory_space<semaphore_mem>>
    %dma_wait3A_65 = tpu.memref_slice %arg4[%mul3A_55] : memref<13107200xf32, #tpu.memory_space<hbm>> -> memref<4096xf32, #tpu.memory_space<hbm>>
    %dma_wait3A_66 = arith.constant 0 : i32
    %dma_wait3A_67 = tpu.memref_slice %arg7[%rem3A_51, %dma_wait3A_66] : memref<2x8192xf32, #tpu.memory_space<vmem>> -> memref<1x4096xf32, #tpu.memory_space<vmem>>
    %dma_wait3A_68 = tpu.memref_squeeze %dma_wait3A_67 : memref<1x4096xf32, #tpu.memory_space<vmem>> -> memref<4096xf32, #tpu.memory_space<vmem>>
    tpu.wait_dma2 semaphore(%dma_wait3A_64 : memref<!tpu.dma_semaphore, #tpu.memory_space<semaphore_mem>>) src(%dma_wait3A_68 : memref<4096xf32, #tpu.memory_space<vmem>>) dst(%dma_wait3A_65 : memref<4096xf32, #tpu.memory_space<hbm>>)
    %dma_wait3A_69 = arith.constant 4096 : i32
    %dma_wait3A_70 = tpu.memref_slice %arg7[%rem3A_51, %dma_wait3A_69] : memref<2x8192xf32, #tpu.memory_space<vmem>> -> memref<1x4096xf32, #tpu.memory_space<vmem>>
    %dma_wait3A_71 = tpu.memref_squeeze %dma_wait3A_70 : memref<1x4096xf32, #tpu.memory_space<vmem>> -> memref<4096xf32, #tpu.memory_space<vmem>>
    %dma_wait3A_72 = tpu.memref_slice %arg4[%mul3A_59] : memref<13107200xf32, #tpu.memory_space<hbm>> -> memref<4096xf32, #tpu.memory_space<hbm>>
    %dma_wait3A_73 = tpu.memref_slice %arg9[%rem3A_51] : memref<2x!tpu.dma_semaphore, #tpu.memory_space<semaphore_mem>> -> memref<1x!tpu.dma_semaphore, #tpu.memory_space<semaphore_mem>>
    %dma_wait3A_74 = tpu.memref_squeeze %dma_wait3A_73 : memref<1x!tpu.dma_semaphore, #tpu.memory_space<semaphore_mem>> -> memref<!tpu.dma_semaphore, #tpu.memory_space<semaphore_mem>>
    %dma_wait3A_75 = tpu.memref_slice %arg4[%mul3A_59] : memref<13107200xf32, #tpu.memory_space<hbm>> -> memref<4096xf32, #tpu.memory_space<hbm>>
    %dma_wait3A_76 = arith.constant 4096 : i32
    %dma_wait3A_77 = tpu.memref_slice %arg7[%rem3A_51, %dma_wait3A_76] : memref<2x8192xf32, #tpu.memory_space<vmem>> -> memref<1x4096xf32, #tpu.memory_space<vmem>>
    %dma_wait3A_78 = tpu.memref_squeeze %dma_wait3A_77 : memref<1x4096xf32, #tpu.memory_space<vmem>> -> memref<4096xf32, #tpu.memory_space<vmem>>
    tpu.wait_dma2 semaphore(%dma_wait3A_74 : memref<!tpu.dma_semaphore, #tpu.memory_space<semaphore_mem>>) src(%dma_wait3A_78 : memref<4096xf32, #tpu.memory_space<vmem>>) dst(%dma_wait3A_75 : memref<4096xf32, #tpu.memory_space<hbm>>)
    %rem3A_79 = arith.constant 49 : i32
    %rem3A_80 = arith.constant 2 : i32
    %rem3A_81 = arith.remsi %rem3A_79, %rem3A_80 : i32
    %add3A_82 = arith.constant 12544 : i32
    %add3A_83 = arith.addi %add3A_82, %mul3A_4 : i32
    %mul3A_84 = arith.constant 1024 : i32
    %mul3A_85 = arith.muli %add3A_83, %mul3A_84 : i32
    %add3A_86 = arith.constant 12672 : i32
    %add3A_87 = arith.addi %add3A_86, %mul3A_4 : i32
    %mul3A_88 = arith.constant 1024 : i32
    %mul3A_89 = arith.muli %add3A_87, %mul3A_88 : i32
    %dma_wait3A_90 = arith.constant 0 : i32
    %dma_wait3A_91 = tpu.memref_slice %arg7[%rem3A_81, %dma_wait3A_90] : memref<2x8192xf32, #tpu.memory_space<vmem>> -> memref<1x4096xf32, #tpu.memory_space<vmem>>
    %dma_wait3A_92 = tpu.memref_squeeze %dma_wait3A_91 : memref<1x4096xf32, #tpu.memory_space<vmem>> -> memref<4096xf32, #tpu.memory_space<vmem>>
    %dma_wait3A_93 = tpu.memref_slice %arg4[%mul3A_85] : memref<13107200xf32, #tpu.memory_space<hbm>> -> memref<4096xf32, #tpu.memory_space<hbm>>
    %dma_wait3A_94 = tpu.memref_slice %arg9[%rem3A_81] : memref<2x!tpu.dma_semaphore, #tpu.memory_space<semaphore_mem>> -> memref<1x!tpu.dma_semaphore, #tpu.memory_space<semaphore_mem>>
    %dma_wait3A_95 = tpu.memref_squeeze %dma_wait3A_94 : memref<1x!tpu.dma_semaphore, #tpu.memory_space<semaphore_mem>> -> memref<!tpu.dma_semaphore, #tpu.memory_space<semaphore_mem>>
    %dma_wait3A_96 = tpu.memref_slice %arg4[%mul3A_85] : memref<13107200xf32, #tpu.memory_space<hbm>> -> memref<4096xf32, #tpu.memory_space<hbm>>
    %dma_wait3A_97 = arith.constant 0 : i32
    %dma_wait3A_98 = tpu.memref_slice %arg7[%rem3A_81, %dma_wait3A_97] : memref<2x8192xf32, #tpu.memory_space<vmem>> -> memref<1x4096xf32, #tpu.memory_space<vmem>>
    %dma_wait3A_99 = tpu.memref_squeeze %dma_wait3A_98 : memref<1x4096xf32, #tpu.memory_space<vmem>> -> memref<4096xf32, #tpu.memory_space<vmem>>
    tpu.wait_dma2 semaphore(%dma_wait3A_95 : memref<!tpu.dma_semaphore, #tpu.memory_space<semaphore_mem>>) src(%dma_wait3A_99 : memref<4096xf32, #tpu.memory_space<vmem>>) dst(%dma_wait3A_96 : memref<4096xf32, #tpu.memory_space<hbm>>)
    %dma_wait3A_100 = arith.constant 4096 : i32
    %dma_wait3A_101 = tpu.memref_slice %arg7[%rem3A_81, %dma_wait3A_100] : memref<2x8192xf32, #tpu.memory_space<vmem>> -> memref<1x4096xf32, #tpu.memory_space<vmem>>
    %dma_wait3A_102 = tpu.memref_squeeze %dma_wait3A_101 : memref<1x4096xf32, #tpu.memory_space<vmem>> -> memref<4096xf32, #tpu.memory_space<vmem>>
    %dma_wait3A_103 = tpu.memref_slice %arg4[%mul3A_89] : memref<13107200xf32, #tpu.memory_space<hbm>> -> memref<4096xf32, #tpu.memory_space<hbm>>
    %dma_wait3A_104 = tpu.memref_slice %arg9[%rem3A_81] : memref<2x!tpu.dma_semaphore, #tpu.memory_space<semaphore_mem>> -> memref<1x!tpu.dma_semaphore, #tpu.memory_space<semaphore_mem>>
    %dma_wait3A_105 = tpu.memref_squeeze %dma_wait3A_104 : memref<1x!tpu.dma_semaphore, #tpu.memory_space<semaphore_mem>> -> memref<!tpu.dma_semaphore, #tpu.memory_space<semaphore_mem>>
    %dma_wait3A_106 = tpu.memref_slice %arg4[%mul3A_89] : memref<13107200xf32, #tpu.memory_space<hbm>> -> memref<4096xf32, #tpu.memory_space<hbm>>
    %dma_wait3A_107 = arith.constant 4096 : i32
    %dma_wait3A_108 = tpu.memref_slice %arg7[%rem3A_81, %dma_wait3A_107] : memref<2x8192xf32, #tpu.memory_space<vmem>> -> memref<1x4096xf32, #tpu.memory_space<vmem>>
    %dma_wait3A_109 = tpu.memref_squeeze %dma_wait3A_108 : memref<1x4096xf32, #tpu.memory_space<vmem>> -> memref<4096xf32, #tpu.memory_space<vmem>>
    tpu.wait_dma2 semaphore(%dma_wait3A_105 : memref<!tpu.dma_semaphore, #tpu.memory_space<semaphore_mem>>) src(%dma_wait3A_109 : memref<4096xf32, #tpu.memory_space<vmem>>) dst(%dma_wait3A_106 : memref<4096xf32, #tpu.memory_space<hbm>>)
    return
  }
}

</mosaic_0001>

<sc_bundles>
// kernel: kernel.3.cloned.1.call-start
scs
__scs_entry_jumppad:
0x0: {  	(pc) =	sbr.rel $0x88, $3  }
0x1: {  	(tag) =	ssettag $0x0;
	lr =	simm.s32 $0x1  }
0x2: {  	[smem:$0x3F9F] =	sst lr;
	_ =	strace $0xD0000000  }
0x3: {  	_ = 	snop  }
0x4: {  	_ = 	snop  }
0x5: {  	_ = 	snop  }
0x6: {  	_ = 	snop  }
0x7: {  	_ = 	snop  }
__scs_overlays_trampoline_lowered:
0x8: {  	[smem:$0x3FAE] =	sst s0  }
0x9: {  	[smem:$0x3FAF] =	sst s1  }
0xa: {  	[smem:$0x3FB0] =	sst s2  }
0xb: {  	[smem:$0x3FB1] =	sst s3  }
0xc: {  	[smem:$0x3FB2] =	sst s4  }
0xd: {  	[smem:$0x3FB3] =	sst s5  }
0xe: {  	[smem:$0x3FB4] =	sst s6  }
0xf: {  	[smem:$0x3FB5] =	sst s7  }
0x10: {  	[smem:$0x3FB6] =	sst s8  }
0x11: {  	[smem:$0x3FB7] =	sst s9;
	s0 =	simm.s32 @!p0 $0x0  }
0x12: {  	s1 =	sld [smem:$0x3F9D];
	s0 =	simm.s32 @p0 $0x1  }
0x13: {  	[smem:$0x3FB8] =	sst s0;
	s0 =	simm.s32 @!p1 $0x0  }
0x14: {  	s2 =	sld [smem:$0x3F9C];
	s0 =	simm.s32 @p1 $0x1  }
0x15: {  	[smem:$0x3FB9] =	sst s0;
	s0 =	simm.s32 @!p2 $0x0  }
0x16: {  	s3 =	sld [smem:$0x3FDB];
	s0 =	simm.s32 @p2 $0x1  }
0x17: {  	s4 =	simm.s32 $0x1BF5;
	[smem:$0x3FBB] =	sst s0  }
0x18: {  	s0 =	sld [smem:$0x3F9E];
	_ =	swait.ge [sflag:s4], $0x0  }
0x19: {  	s7 =	sld [smem:$0x3F9F]  }
0x1a: {  	s8 =	sadd.s32 $0xFFFFE003, lr  }
0x1b: {  	s9 =	sadd.s32 $0xFFFFFEF7, lr;
	s5 =	simm.s32 $0xFFFFFFFF;
	p2 =	slt.u32 s8, $0xFFFFF086  }
0x1c: {  	p1 =	slt.u32 s9, $0xF7A;
	s5 =	simm.s32 @!p2 $0x0  }
0x1d: {  	s5 =	simm.s32 @p1 $0x1;
	p0 =	seq.s32 s7, s2  }
0x1e: {  	s7 =	smul.u32 @!p0 $0xF7A, s2;
	p2 =	seq.s32 @!p0 s5, $0x0  }
0x1f: {  	s9 =	smul.u32 $0xF7A, s1;
	s8 =	simm.s32 @!p0 $0x1BF5;
	p2 =	por !p2, p0  }
0x20: {  	[sflag:s8] =	ssyncset.s32 @!p0 $0xFFFFF086;
	s6 =	sadd.s32 @!p0 s3, s7;
	s7 =	simm.s32 @!p0 $0x108  }
0x21: {  	s3 =	sadd.s32 s3, s9;
	s6 =	sadd.s32 @!p0 $0x88, s6;
	s7 =	simm.s32 @p2 $0x1082  }
0x22: {  	[simem:s7], [sflag:s8] =	dma.local @!p0 [hbm:s6], $0xF7A  }
0x23: {  	s9 =	sor.u32 $0xD0000000, s2;
	s6 =	simm.s32 $0x108;
	_ =	swait.ge @!p0 [sflag:s8], $0x0  }
0x24: {  	s3 =	sadd.s32 $0x88, s3;
	s6 =	simm.s32 @!p1 $0x1082;
	[sflag:s4] =	ssyncset.s32 $0xFFFFF086  }
0x25: {  	[simem:s6], [sflag:s4] =	dma.local [hbm:s3], $0xF7A  }
0x26: {  	[smem:$0x3F9F] =	sst s1;
	(tag) =	ssettag s2;
	_ =	strace s9  }
0x27: {  	s1 =	sld [smem:$0x3FAF]  }
0x28: {  	s2 =	sld [smem:$0x3FB0]  }
0x29: {  	s4 =	sld [smem:$0x3FB2]  }
0x2a: {  	p0 =	seq.s32 s5, $0x0;
	s5 =	sld [smem:$0x3FB3]  }
0x2b: {  	s6 =	sld [smem:$0x3FB4]  }
0x2c: {  	s7 =	sld [smem:$0x3FB5]  }
0x2d: {  	s3 =	simm.s32 $0x108;
	s8 =	sld [smem:$0x3FB6]  }
0x2e: {  	s3 =	simm.s32 @!p0 $0x1082;
	s9 =	sld [smem:$0x3FB7]  }
0x2f: {  	lr =	sadd.s32 s0, s3;
	s0 =	sld [smem:$0x3FAE]  }
0x30: {  	s3 =	sld [smem:$0x3FB1]  }
0x31: {  	[smem:$0x3FBA] =	sst s10  }
0x32: {  	s10 =	sld [smem:$0x3FB8];
	_ =	sdelay $0x3  }
0x33: {  	p0 =	seq.s32 s10, $0x1;
	s10 =	sld [smem:$0x3FBA];
	_ =	sdelay $0x3  }
0x34: {  	[smem:$0x3FBA] =	sst s10  }
0x35: {  	s10 =	sld [smem:$0x3FB9];
	_ =	sdelay $0x3  }
0x36: {  	p1 =	seq.s32 s10, $0x1;
	s10 =	sld [smem:$0x3FBA];
	_ =	sdelay $0x3  }
0x37: {  	[smem:$0x3FBA] =	sst s10  }
0x38: {  	s10 =	sld [smem:$0x3FBB]  }
0x39: {  	_ = 	snop;
	(pc) =	sbr.ind lr, $3  }
0x3a: {  	_ = 	snop  }
0x3b: {  	_ = 	snop  }
0x3c: {  	p2 =	seq.s32 s10, $0x1;
	s10 =	sld [smem:$0x3FBA]  }
0x3d: {  	_ =	shalt  }
0x3e: {  	_ =	shalt  }
0x3f: {  	_ =	shalt  }
0x40: {  	_ =	shalt  }
0x41: {  	_ =	shalt  }
0x42: {  	_ =	shalt  }
0x43: {  	_ =	shalt  }
0x44: {  	_ =	shalt  }
0x45: {  	_ =	shalt  }
0x46: {  	_ =	shalt  }
0x47: {  	_ =	shalt  }
0x48: {  	_ =	shalt  }
0x49: {  	_ =	shalt  }
0x4a: {  	_ =	shalt  }
0x4b: {  	_ =	shalt  }
0x4c: {  	_ =	shalt  }
0x4d: {  	_ =	shalt  }
0x4e: {  	_ =	shalt  }
0x4f: {  	_ =	shalt  }
0x50: {  	_ =	shalt  }
0x51: {  	_ =	shalt  }
0x52: {  	_ =	shalt  }
0x53: {  	_ =	shalt  }
0x54: {  	_ =	shalt  }
0x55: {  	_ =	shalt  }
0x56: {  	_ =	shalt  }
0x57: {  	_ =	shalt  }
0x58: {  	_ =	shalt  }
0x59: {  	_ =	shalt  }
0x5a: {  	_ =	shalt  }
0x5b: {  	_ =	shalt  }
0x5c: {  	_ =	shalt  }
0x5d: {  	_ =	shalt  }
0x5e: {  	_ =	shalt  }
0x5f: {  	_ =	shalt  }
0x60: {  	_ =	shalt  }
0x61: {  	_ =	shalt  }
0x62: {  	_ =	shalt  }
0x63: {  	_ =	shalt  }
0x64: {  	_ =	shalt  }
0x65: {  	_ =	shalt  }
0x66: {  	_ =	shalt  }
0x67: {  	_ =	shalt  }
0x68: {  	_ =	shalt  }
0x69: {  	_ =	shalt  }
0x6a: {  	_ =	shalt  }
0x6b: {  	_ =	shalt  }
0x6c: {  	_ =	shalt  }
0x6d: {  	_ =	shalt  }
0x6e: {  	_ =	shalt  }
0x6f: {  	_ =	shalt  }
0x70: {  	_ =	shalt  }
0x71: {  	_ =	shalt  }
0x72: {  	_ =	shalt  }
0x73: {  	_ =	shalt  }
0x74: {  	_ =	shalt  }
0x75: {  	_ =	shalt  }
0x76: {  	_ =	shalt  }
0x77: {  	_ =	shalt  }
0x78: {  	_ =	shalt  }
0x79: {  	_ =	shalt  }
0x7a: {  	_ =	shalt  }
0x7b: {  	_ =	shalt  }
0x7c: {  	_ =	shalt  }
0x7d: {  	_ =	shalt  }
0x7e: {  	_ =	shalt  }
0x7f: {  	_ =	shalt  }
0x80: {  	_ =	shalt  }
0x81: {  	_ =	shalt  }
0x82: {  	_ =	shalt  }
0x83: {  	_ =	shalt  }
0x84: {  	_ =	shalt  }
0x85: {  	_ =	shalt  }
0x86: {  	_ =	shalt  }
0x87: {  	_ =	shalt  }
.Lfunc_end0:
.L_simem_size_0:
called_computation_lowered:
.L_overlay_start_0:
0x88: {  	s2 =	sld [smem:$0x3FD9]  }
0x89: {  	s3 =	sld [smem:$0x3FFE];
	_ =	sdelay $0x1  }
0x8a: {  	s1 =	srdreg.scid  }
0x8b: {  	s0 =	sand.u32 $0x1, s1  }
0x8c: {  	s17 =	sshll.u32 s0, $0xA;
	s2 =	sadd.s32 s3, s2  }
0x8d: {  	s2 =	sadd.s32 s2, s17  }
0x8e: {  	[smem:$0x3FC6] =	sst s2  }
0x8f: {  	_ = 	snop  }
0x90: {  	s2 =	sld [smem:$0x3FD0];
	(tm) =	ssettm $0x1  }
0x91: {  	s18 =	sld [smem:$0x3FFB];
	_ =	sdelay $0x3  }
0x92: {  	_ =	strace s18  }
0x93: {  	s3 =	sld [smem:$0x3FFC];
	_ =	sdelay $0x3  }
0x94: {  	_ =	strace s3  }
0x95: {  	s3 =	sld [smem:$0x3FFD];
	_ =	sdelay $0x3  }
0x96: {  	_ =	strace s3  }
0x97: {  	_ =	strace $0x8FFFFFFF  }
0x98: {  	s19 =	sld [smem:$0x3FDB];
	_ =	sdelay $0x1  }
0x99: {  	s4 =	simm.s32 $_scs_section_size  }
0x9a: {  	s5 =	simm.s32 $_size__tile_overlayer_lowered;
	s6 =	simm.s32 $_tile_overlayer_lowered  }
0x9b: {  	s22 =	simm.s32 $0x1BFF;
	s21 =	sshll.u32 s6, $0x1;
	s3 =	sadd.s32 s4, s19  }
0x9c: {  	s7 =	simm.s32 $0x0;
	s20 =	sshll.u32 s5, $0x1;
	s5 =	sadd.s32 s21, s3  }
0x9d: {  	[timem:s7], [sflag:s22] =	dma.local [hbm:s5], s20  }
0x9e: {  	_ =	swait.ge [sflag:s22], s20  }
0x9f: {  	s4 =	ssub.s32 $0x0, s20;
	[sflag:s22] =	ssyncset.done $0x0  }
0xa0: {  	[sflag:s22] =	ssyncadd.s32 s4;
	_ =	sdelay $0x1  }
0xa1: {  	s23 =	simm.s32 $0x1B8B  }
0xa2: {  	_ =	swait.ge [sflag:s23], $0x1  }
0xa3: {  	[sflag:s23] =	ssyncset.done $0x0  }
0xa4: {  	s25 =	simm.s32 $0x1B8E;
	s24 =	sld [smem:$0x3FFE];
	[sflag:s23] =	ssyncadd.s32 $0xFFFFFFFF  }
0xa5: {  	s26 =	simm.s32 $execute0_lowered;
	[smem:$0x3FD2] =	sst s25  }
0xa6: {  	s5 =	sshll.u32 s26, $0x1;
	_ =	strace $0x80000046;
	[dreg:$0x1] =	wrdreg $0xFFFFFFFF  }
0xa7: {  	s28 =	simm.s32 $_size_execute0_lowered;
	s3 =	sadd.s32 s3, s5;
	[dreg:$0x0] =	wrdreg $0x0  }
0xa8: {  	s5 =	sshll.u32 s28, $0x1;
	[dreg:$0x2] =	wrdreg s3  }
0xa9: {  	[dreg:$0x3] =	wrdreg s5  }
0xaa: {  	[dreg:$0x4] =	wrdreg $0xC0  }
0xab: {  	_ =	task [dreg:s7], $0x5FFFF  }
0xac: {  	[dreg:$0x1] =	wrdreg $0xFFFFFFFF  }
0xad: {  	[dreg:$0x0] =	wrdreg $0x60  }
0xae: {  	[dreg:$0x2] =	wrdreg s24  }
0xaf: {  	[dreg:$0x3] =	wrdreg s2  }
0xb0: {  	[dreg:$0x4] =	wrdreg $0x9  }
0xb1: {  	_ =	task.clear_ibuf [dreg:s7], $0x5FFFF;
	_ =	strace $0x90000046  }
0xb2: {  	s29 =	simm.s32 $0x9;
	_ =	strace $0x80000048  }
0xb3: {  	_ =	swait.ge [sflag:s29], $0x1  }
0xb4: {  	[sflag:s29] =	ssyncadd.s32 $0xFFFFFFFF  }
0xb5: {  	_ =	strace $0x90000048  }
0xb6: {  	_ =	sfence  }
0xb7: {  	s30 =	sld [smem:$0x0];
	_ =	sdelay $0x2  }
0xb8: {  	s31 =	sshll.u32 s1, $0xD;
	s1 =	sshrl.u32 s1, $0x2  }
0xb9: {  	s3 =	sand.u32 $0x4000, s31;
	s1 =	sadd.s32 s1, s30  }
0xba: {  	s0 =	sor.u32 s3, s0;
	s1 =	sshll.u32 s1, $0x11  }
0xbb: {  	s0 =	sor.u32 s1, s0  }
0xbc: {  	s0 =	sadd.s32 $0x8F2B, s0  }
0xbd: {  	[sflag:s0] =	ssyncadd.remote.s32 $0x1  }
0xbe: {  	_ =	sfence.sel $0xFFFF  }
0xbf: {  	[dreg:$0x0] =	wrdreg $0xFFFFFFFF;
	(pc) =	sbr.abs _section_cstart, $3  }
0xc0: {  	[dreg:$0x1] =	wrdreg $0xFFFFFFFF  }
0xc1: {  	_ =	task.clear_ibuf [dreg:s7], $0x2FFFF;
	_ =	strace $0x9FFFFFFF  }
0xc2: {  	(tm) =	ssettm $0x7FFFFFFF  }
0xc3: {  	_ =	shalt  }
tec
execute0_lowered:
.L_overlay_start_1:
0x0: {  	(tag) =	ssettag $0x1  }
0x1: {  	v0 =	vimm.s32 $0x1380;
	vm0 =	vcmask $0x300  }
0x2: {  	vm14 =	vcmask $0x704;
	v0 =	vsel vm0, $0x0, v0  }
0x3: {  	vm15 =	vcmask $0xB08;
	v0 =	vsel vm14, $0x80, v0  }
0x4: {  	s5 =	rddreg [dreg:$0x0];
	vm4 =	vcmask $0xF0C;
	v0 =	vsel vm15, $0x100, v0  }
0x5: {  	s1 =	rddreg [dreg:$0x1];
	vm5 =	vcmask $0x1310;
	v0 =	vsel vm4, $0x180, v0  }
0x6: {  	s0 =	rddreg [dreg:$0x2];
	vm6 =	vcmask $0x1714;
	v0 =	vsel vm5, $0x200, v0  }
0x7: {  	s4 =	srdreg.scid;
	s2 =	stileid.u32;
	vm7 =	vcmask $0x1B18;
	v0 =	vsel vm6, $0x280, v0  }
0x8: {  	s3 =	simm.s32 $0x0;
	vm8 =	vcmask $0x1F1C;
	s9 =	simm.s32 $0x200;
	s10 =	simm.s32 $0x4000;
	v0 =	vsel vm7, $0x300, v0  }
0x9: {  	vm9 =	vcmask $0x2320;
	s11 =	simm.s32 $0x6;
	s12 =	simm.s32 $0x6400;
	s13 =	simm.s32 $0x8400;
	v0 =	vsel vm8, $0x380, v0  }
0xa: {  	vm10 =	vcmask $0x2724;
	s14 =	simm.s32 $0xC400;
	s15 =	simm.s32 $0xE400;
	s16 =	simm.s32 $0x4;
	v0 =	vsel vm9, $0x1000, v0  }
0xb: {  	vm11 =	vcmask $0x2B28;
	s17 =	simm.s32 $0x5;
	s18 =	simm.s32 $0x0;
	s4 =	sand.u32 $0x1, s4;
	v0 =	vsel vm10, $0x1080, v0  }
.Ltmp0:
0xc: {  	vm12 =	vcmask $0x2F2C;
	s6 =	sshll.u32 s2, $0x1;
	[smem:$0x7FF] =	sst s3;
	v0 =	vsel vm11, $0x1100, v0;
	(pc) =	sbr.rel .LBB2_1-.Ltmp0, $4  }
0xd: {  	vm13 =	vcmask $0x3330;
	s6 =	sor.u32 s4, s6;
	_ =	strace $0x80000047;
	s8 =	ssub.s32 $0x2, s4;
	v0 =	vsel vm12, $0x1180, v0  }
0xe: {  	s4 =	sadd.s32 $0xF42A00, s5;
	vm14 =	vcmask $0x3734;
	s7 =	sshll.u32 s6, $0x6;
	s31 =	sshrl.u32 s8, $0x1;
	v0 =	vsel vm13, $0x1200, v0  }
0xf: {  	vm15 =	vcmask $0x3B38;
	s7 =	sadd.s32 s7, s5;
	s8 =	ssub.s32 s8, s31;
	s5 =	sshll.u32 s6, $0x9;
	v0 =	vsel vm14, $0x1280, v0  }
0x10: {  	s6 =	sadd.s32 $0x600, s7;
	s7 =	sadd.s32 $0x4000, s1;
	s8 =	smax.u32 s8, $0x1;
	v0 =	vsel vm15, $0x1300, v0  }
.LBB2_27:
0x11: {  	_ =	swait.ge [sflag:s16], $0x1000  }
0x12: {  	[sflag:s16] =	ssyncset.done $0x0  }
0x13: {  	[sflag:s16] =	ssyncadd.s32 $0xFFFFF000  }
0x14: {  	_ =	swait.ge [sflag:s16], $0x1000  }
0x15: {  	[sflag:s16] =	ssyncset.done $0x0  }
0x16: {  	s18 =	sadd.s32 $0x1, s18;
	[sflag:s16] =	ssyncadd.s32 $0xFFFFF000  }
0x17: {  	p0 =	sne.s32 s18, s8;
	_ =	swait.ge [sflag:s17], $0x1000  }
.Ltmp1:
0x18: {  	[sflag:s17] =	ssyncset.done $0x0;
	(pc) =	sbr.rel @!p0 .LBB2_28-.Ltmp1, $4  }
0x19: {  	[sflag:s17] =	ssyncadd.s32 $0xFFFFF000  }
0x1a: {  	_ =	swait.ge [sflag:s17], $0x1000  }
0x1b: {  	[sflag:s17] =	ssyncset.done $0x0  }
0x1c: {  	[sflag:s17] =	ssyncadd.s32 $0xFFFFF000  }
.LBB2_1:
0x1d: {  	[tilespmem:s3], [sflag:$0x6] =	stream.strided.gather [hbm4b:s6+s9], $0x6400, s10, s9, $0x38;
	[tilespmem:$0x10400] =	vst v63  }
0x1e: {  	_ =	swait.ge [sflag:s11], $0x6400  }
.Ltmp2:
0x1f: {  	[sflag:s11] =	ssyncset.done $0x0;
	(pc) =	sbr.rel .LBB2_2-.Ltmp2, $4  }
0x20: {  	[sflag:s11] =	ssyncadd.s32 $0xFFFF9C00  }
0x21: {  	[tilespmem:s12], [sflag:$0x1] =	stream.indirect.gather [hbm4b:s4+s9], $0x10, s3, s9, $0xb8;
	[tilespmem:$0x10400] =	vst v63  }
0x22: {  	s19 =	simm.s32 $0x0  }
0x23: {  	[tilespmem:s13], [sflag:$0x2] =	stream.indirect.gather [hbm4b:s4+s9], $0x10, s9, s9, $0xb8;
	[tilespmem:$0x10400] =	vst v63  }
.LBB2_26:
0x24: {  	s21 =	sshll.u32 s19, $0xF;
	s19 =	sadd.s32 $0x1, s19  }
0x25: {  	p0 =	sne.s32 s19, $0x32  }
.Ltmp3:
0x26: {  	s22 =	sshll.u32 s20, $0xD;
	s21 =	sor.u32 s5, s21;
	(pc) =	sbr.rel @!p0 .LBB2_27-.Ltmp3, $4  }
0x27: {  	s31 =	sor.u32 $0x4, s20;
	s24 =	sor.u32 $0xC400, s22;
	s23 =	sadd.s32 s1, s21  }
0x28: {  	[hbm4b:s23+s3] =	stream.linear.scatter [tilespmem:s24], [sflag:s31], $0x1000, $0x38;
	[tilespmem:$0x10400] =	vst v63  }
0x29: {  	s22 =	sor.u32 $0xD400, s22;
	s21 =	sadd.s32 s21, s7  }
0x2a: {  	[hbm4b:s21+s3] =	stream.linear.scatter [tilespmem:s22], [sflag:s31], $0x1000, $0x38;
	[tilespmem:$0x10400] =	vst v63  }
.LBB2_2:
0x2b: {  	p0 =	sgt.u32 s19, $0x2F  }
0x2c: {  	s20 =	sadd.s32 @!p0 $0x2, s19  }
0x2d: {  	s21 =	smul.u32 @!p0 $0xAB, s20  }
0x2e: {  	s22 =	smul.u32 $0xAB, s19  }
0x2f: {  	s21 =	sshrl.u32 @!p0 s21, $0x9  }
0x30: {  	s22 =	sshrl.u32 s22, $0x9;
	s21 =	sand.u32 @!p0 $0x7F, s21  }
0x31: {  	s22 =	sand.u32 $0x7F, s22;
	s21 =	smul.u32 @!p0 $0x3, s21  }
0x32: {  	s22 =	smul.u32 $0x3, s22  }
0x33: {  	s25 =	simm.s32 @!p0 $0x200;
	s21 =	ssub.s32 @!p0 s20, s21  }
0x34: {  	s22 =	ssub.s32 s19, s22;
	s20 =	sshll.u32 @!p0 s20, $0x9;
	s23 =	sand.u32 @!p0 $0xFF, s21  }
0x35: {  	s21 =	sand.u32 $0xFF, s22;
	s20 =	sand.u32 @!p0 $0x3FFFFE00, s20;
	s24 =	sshll.u32 @!p0 s23, $0xD  }
0x36: {  	s23 =	sadd.s32 @!p0 $0x1, s23;
	s30 =	sadd.s32 $0x1, s21;
	s24 =	sadd.s32 @!p0 $0x6400, s24  }
0x37: {  	[tilespmem:s24], [sflag:s23] =	stream.indirect.gather @!p0 [hbm4b:s4+s25], $0x10, s20, s25, $0xb8;
	[tilespmem:$0x10400] =	vst v63  }
0x38: {  	_ =	swait.ge [sflag:s30], $0x2000  }
0x39: {  	s20 =	sand.u32 $0x1, s19;
	p0 =	slt.u32 s19, $0x2;
	[sflag:s30] =	ssyncset.done $0x0  }
0x3a: {  	s23 =	sor.u32 @!p0 $0x4, s20;
	s31 =	sor.u32 s21, s20;
	[sflag:s30] =	ssyncadd.s32 $0xFFFFE000  }
0x3b: {  	p1 =	sne.s32 s31, $0x0;
	_ =	swait.ge @!p0 [sflag:s23], $0x1000  }
.Ltmp4:
0x3c: {  	[sflag:s23] =	ssyncset.done @!p0 $0x0;
	(pc) =	sbr.rel @p1 .LBB2_6-.Ltmp4, $4  }
0x3d: {  	[sflag:s23] =	ssyncadd.s32 @!p0 $0xFFFFF000  }
0x3e: {  	_ =	swait.ge @!p0 [sflag:s23], $0x1000  }
0x3f: {  	[sflag:s23] =	ssyncset.done @!p0 $0x0  }
0x40: {  	[sflag:s23] =	ssyncadd.s32 @!p0 $0xFFFFF000  }
0x41: {  	s23 =	simm.s32 $0x0  }
0x42: {  	s25 =	sand.u32 $0x7F, s23;
	s26 =	sand.u32 $0xC00, s23  }
0x43: {  	s24 =	simm.s32 $0x6400;
	s26 =	sor.u32 s25, s26  }
0x44: {  	v1 =	vld [tilespmem:s24+$0x0];
	s25 =	simm.s32 $0x1;
	v2 =	vor.u32 s26, v0  }
.LBB2_4:
0x45: {  	p0 =	sne.s32 s25, $0x1FF  }
.Ltmp5:
0x46: {  	_ = 	snop;
	(pc) =	sbr.rel @p0 .LBB2_4-.Ltmp5, $4  }
0x47: {  	s23 =	sadd.s32 $0x8, s23  }
0x48: {  	s26 =	sand.u32 $0x7F, s25;
	s28 =	sand.u32 $0xC00, s23  }
0x49: {  	s24 =	sadd.s32 $0x10, s24;
	s26 =	sor.u32 s26, s28;
	[tilespmem:v2+s14+$0x0] =	vst.idx.msk $0xffff, v1  }
0x4a: {  	s25 =	sadd.s32 $0x1, s25;
	v2 =	vor.u32 s26, v0;
	v1 =	vld [tilespmem:s24+$0x0]  }
0x4b: {  	_ =	sdelay $0x3  }
0x4c: {  	[tilespmem:v2+s14+$0x0] =	vst.idx.msk $0xffff, v1  }
.LBB2_6:
0x4d: {  	p1 =	sne.s32 s21, $0x0;
	p0 =	seq.s32 s20, $0x1  }
0x4e: {  	p1 =	por p1, !p0  }
.Ltmp6:
0x4f: {  	_ = 	snop;
	(pc) =	sbr.rel @p1 .LBB2_10-.Ltmp6, $1  }
0x50: {  	_ =	sdelay $0x3  }
0x51: {  	p1 =	por $0x0, $0x0  }
.Ltmp7:
0x52: {  	_ = 	snop;
	(pc) =	sbr.rel @p1 .LBB2_9-.Ltmp7, $4  }
0x53: {  	s23 =	simm.s32 $0x0  }
0x54: {  	s25 =	sand.u32 $0x7F, s23;
	s26 =	sand.u32 $0xC00, s23  }
0x55: {  	s24 =	simm.s32 $0x6400;
	s26 =	sor.u32 s25, s26  }
0x56: {  	v1 =	vld [tilespmem:s24+$0x0];
	s25 =	simm.s32 $0x1;
	v2 =	vor.u32 s26, v0  }
.LBB2_8:
0x57: {  	p1 =	seq.s32 s25, $0x1FF  }
.Ltmp8:
0x58: {  	_ = 	snop;
	(pc) =	sbr.rel @!p1 .LBB2_8-.Ltmp8, $4  }
0x59: {  	s23 =	sadd.s32 $0x8, s23  }
0x5a: {  	s26 =	sand.u32 $0x7F, s25;
	s28 =	sand.u32 $0xC00, s23  }
0x5b: {  	s24 =	sadd.s32 $0x10, s24;
	s26 =	sor.u32 s26, s28;
	[tilespmem:v2+s15+$0x0] =	vst.idx.msk $0xffff, v1  }
0x5c: {  	s25 =	sadd.s32 $0x1, s25;
	v2 =	vor.u32 s26, v0;
	v1 =	vld [tilespmem:s24+$0x0]  }
.LBB2_9:
.Ltmp9:
0x5d: {  	_ = 	snop;
	(pc) =	sbr.rel .LBB2_14-.Ltmp9, $2  }
0x5e: {  	_ =	sdelay $0x2  }
0x5f: {  	p1 =	por $0x0, $0x0;
	[tilespmem:v2+s15+$0x0] =	vst.idx.msk $0xffff, v1  }
.LBB2_10:
0x60: {  	p2 =	sne.s32 s20, $0x0  }
0x61: {  	s23 =	sand.u32 @!p2 $0xFF, s22  }
0x62: {  	p1 =	sne.s32 @!p2 s23, $0x1  }
0x63: {  	p3 =	por p2, p1  }
.Ltmp10:
0x64: {  	_ = 	snop;
	(pc) =	sbr.rel @p3 .LBB2_29-.Ltmp10, $2  }
0x65: {  	_ =	sdelay $0x2  }
0x66: {  	p1 =	seq.s32 s21, $0x1  }
0x67: {  	s23 =	simm.s32 $0x0  }
0x68: {  	s25 =	sand.u32 $0x7F, s23;
	s26 =	sand.u32 $0xC00, s23  }
0x69: {  	s24 =	simm.s32 $0x8400;
	s26 =	sor.u32 s25, s26  }
0x6a: {  	v1 =	vld [tilespmem:s24+$0x0];
	s25 =	simm.s32 $0x1;
	v2 =	vor.u32 s26, v0  }
.LBB2_12:
0x6b: {  	p2 =	sne.s32 s25, $0x1FF  }
.Ltmp11:
0x6c: {  	_ = 	snop;
	(pc) =	sbr.rel @p2 .LBB2_12-.Ltmp11, $4  }
0x6d: {  	s23 =	sadd.s32 $0x8, s23  }
0x6e: {  	s26 =	sand.u32 $0x7F, s25;
	s28 =	sand.u32 $0xC00, s23  }
0x6f: {  	s24 =	sadd.s32 $0x10, s24;
	s26 =	sor.u32 s26, s28;
	[tilespmem:v2+s14+$0x0] =	vst.idx.msk $0xffff, v1  }
0x70: {  	s25 =	sadd.s32 $0x1, s25;
	v2 =	vor.u32 s26, v0;
	v1 =	vld [tilespmem:s24+$0x0]  }
.Ltmp12:
0x71: {  	_ = 	snop;
	(pc) =	sbr.rel .LBB2_14-.Ltmp12, $2  }
0x72: {  	_ =	sdelay $0x2  }
0x73: {  	[tilespmem:v2+s14+$0x0] =	vst.idx.msk $0xffff, v1  }
.LBB2_29:
0x74: {  	p1 =	por @!p2 p1, p1  }
.LBB2_14:
0x75: {  	p1 =	por !p1, !p0  }
0x76: {  	p1 =	por !p1, !p1  }
.Ltmp13:
0x77: {  	_ = 	snop;
	(pc) =	sbr.rel @!p1 .LBB2_18-.Ltmp13, $1  }
0x78: {  	_ =	sdelay $0x3  }
0x79: {  	s23 =	simm.s32 $0x0  }
0x7a: {  	s25 =	sand.u32 $0x7F, s23;
	s26 =	sand.u32 $0xC00, s23  }
0x7b: {  	s24 =	simm.s32 $0x8400;
	s26 =	sor.u32 s25, s26  }
0x7c: {  	v1 =	vld [tilespmem:s24+$0x0];
	s25 =	simm.s32 $0x1;
	v2 =	vor.u32 s26, v0  }
.LBB2_16:
0x7d: {  	p1 =	sne.s32 s25, $0x1FF  }
.Ltmp14:
0x7e: {  	_ = 	snop;
	(pc) =	sbr.rel @p1 .LBB2_16-.Ltmp14, $4  }
0x7f: {  	s23 =	sadd.s32 $0x8, s23  }
0x80: {  	s26 =	sand.u32 $0x7F, s25;
	s28 =	sand.u32 $0xC00, s23  }
0x81: {  	s24 =	sadd.s32 $0x10, s24;
	s26 =	sor.u32 s26, s28;
	[tilespmem:v2+s15+$0x0] =	vst.idx.msk $0xffff, v1  }
0x82: {  	s25 =	sadd.s32 $0x1, s25;
	v2 =	vor.u32 s26, v0;
	v1 =	vld [tilespmem:s24+$0x0]  }
0x83: {  	_ =	sdelay $0x3  }
0x84: {  	[tilespmem:v2+s15+$0x0] =	vst.idx.msk $0xffff, v1  }
.LBB2_18:
0x85: {  	p1 =	sne.s32 s20, $0x0  }
0x86: {  	s22 =	sand.u32 @!p1 $0xFF, s22  }
0x87: {  	p2 =	sne.s32 @!p1 s22, $0x2  }
0x88: {  	p1 =	por p1, p2  }
.Ltmp15:
0x89: {  	_ = 	snop;
	(pc) =	sbr.rel @p1 .LBB2_22-.Ltmp15, $1  }
0x8a: {  	_ =	sdelay $0x3  }
0x8b: {  	s22 =	simm.s32 $0x0  }
0x8c: {  	s24 =	sand.u32 $0x7F, s22;
	s25 =	sand.u32 $0xC00, s22  }
0x8d: {  	s23 =	simm.s32 $0xA400;
	s25 =	sor.u32 s24, s25  }
0x8e: {  	v1 =	vld [tilespmem:s23+$0x0];
	s24 =	simm.s32 $0x1;
	v2 =	vor.u32 s25, v0  }
.LBB2_20:
0x8f: {  	p1 =	sne.s32 s24, $0x1FF  }
.Ltmp16:
0x90: {  	_ = 	snop;
	(pc) =	sbr.rel @p1 .LBB2_20-.Ltmp16, $4  }
0x91: {  	s22 =	sadd.s32 $0x8, s22  }
0x92: {  	s25 =	sand.u32 $0x7F, s24;
	s26 =	sand.u32 $0xC00, s22  }
0x93: {  	s23 =	sadd.s32 $0x10, s23;
	s25 =	sor.u32 s25, s26;
	[tilespmem:v2+s14+$0x0] =	vst.idx.msk $0xffff, v1  }
0x94: {  	s24 =	sadd.s32 $0x1, s24;
	v2 =	vor.u32 s25, v0;
	v1 =	vld [tilespmem:s23+$0x0]  }
0x95: {  	_ =	sdelay $0x3  }
0x96: {  	[tilespmem:v2+s14+$0x0] =	vst.idx.msk $0xffff, v1  }
.LBB2_22:
0x97: {  	p1 =	sne.s32 s21, $0x2;
	p0 =	por !p0, !p0  }
0x98: {  	p0 =	por p1, p0  }
.Ltmp17:
0x99: {  	_ = 	snop;
	(pc) =	sbr.rel @p0 .LBB2_26-.Ltmp17, $1  }
0x9a: {  	_ =	sdelay $0x3  }
0x9b: {  	s21 =	simm.s32 $0x0  }
0x9c: {  	s23 =	sand.u32 $0x7F, s21;
	s24 =	sand.u32 $0xC00, s21  }
0x9d: {  	s22 =	simm.s32 $0xA400;
	s24 =	sor.u32 s23, s24  }
0x9e: {  	v1 =	vld [tilespmem:s22+$0x0];
	s23 =	simm.s32 $0x1;
	v2 =	vor.u32 s24, v0  }
.LBB2_24:
0x9f: {  	p0 =	sne.s32 s23, $0x1FF  }
.Ltmp18:
0xa0: {  	_ = 	snop;
	(pc) =	sbr.rel @p0 .LBB2_24-.Ltmp18, $4  }
0xa1: {  	s21 =	sadd.s32 $0x8, s21  }
0xa2: {  	s24 =	sand.u32 $0x7F, s23;
	s25 =	sand.u32 $0xC00, s21  }
0xa3: {  	s22 =	sadd.s32 $0x10, s22;
	s24 =	sor.u32 s24, s25;
	[tilespmem:v2+s15+$0x0] =	vst.idx.msk $0xffff, v1  }
0xa4: {  	s23 =	sadd.s32 $0x1, s23;
	v2 =	vor.u32 s24, v0;
	v1 =	vld [tilespmem:s22+$0x0]  }
.Ltmp19:
0xa5: {  	_ = 	snop;
	(pc) =	sbr.rel .LBB2_26-.Ltmp19, $2  }
0xa6: {  	_ =	sdelay $0x2  }
0xa7: {  	[tilespmem:v2+s15+$0x0] =	vst.idx.msk $0xffff, v1  }
.LBB2_28:
0xa8: {  	_ =	sfence.sel $0x180000  }
0xa9: {  	[bflag:$0x0] =	sbarrier.arrive $0xFFFF  }
0xaa: {  	p0 =	sne.s32 s2, $0x0;
	_ =	strace $0x90000047  }
0xab: {  	s0 =	sadd.s32 @!p0 $0x100000, s0;
	[bflag:$0x2] =	sbarrier.arrive $0xFFFF  }
0xac: {  	[sflag:s0] =	ssyncadd.tile.s32 @!p0 $0x1;
	_ =	shalt  }
.Lfunc_end2:
_tile_overlayer_lowered:
.L_overlay_start_2:
0xad: {  	(tag) =	ssettag $0x2  }
0xae: {  	s0 =	rddreg [dreg:$0x0];
	s2 =	stileid.u32  }
0xaf: {  	s1 =	rddreg [dreg:$0x1];
	p0 =	sne.s32 s2, $0x0  }
0xb0: {  	s3 =	rddreg [dreg:$0x2];
	[bflag:$0x3] =	sbarrier.arrive $0xFFFF;
	s2 =	simm.s32 @!p0 $0x1C06  }
0xb1: {  	[timem:s3], [sflag:s2] =	dma.local @!p0 [hbm:s0], s1  }
0xb2: {  	s0 =	simm.s32 @!p0 $0x6  }
0xb3: {  	_ =	swait.ge @!p0 [sflag:s0], s1  }
0xb4: {  	s1 =	ssub.s32 @!p0 $0x0, s1;
	[sflag:s0] =	ssyncset.done @!p0 $0x0  }
0xb5: {  	[sflag:s0] =	ssyncadd.s32 @!p0 s1  }
0xb6: {  	[bflag:$0x3] =	sbarrier.arrive $0xFFFF  }
0xb7: {  	_ =	shalt  }

</sc_bundles>
